<compile_context>
chip_gen: v7x
topology: tpu7x:2x2x1
jax: 0.10.2.dev20260603
libtpu: 0.0.44.dev20260713+nightly
codegen_flags: <defaults>
</compile_context>

<pallas_src>
import functools

import jax
import jax.numpy as jnp
import numpy as np
from jax import lax
from jax.experimental import pallas as pl
from jax.experimental.pallas import tpu as pltpu
from jax.experimental.pallas import tpu_sc as plsc

_N = 1024
_ROW = 1280
_NW = 32
_SPW = _N // _NW
_CHUNK = 16
_TBL = 160

def _sc_body(img_hbm, tbl_hbm, par_hbm, out_hbm,
             buf_a, buf_b, tbl_v, par_v, scr_v, out_v, sem_a, sem_b):
    wid = lax.axis_index("s") * 2 + lax.axis_index("c")
    pltpu.sync_copy(tbl_hbm, tbl_v)
    pltpu.sync_copy(par_hbm, par_v)

    row0 = wid * (2 * 48)
    cps_a = [pltpu.async_copy(img_hbm.at[pl.ds(row0, 48)], buf_a, sem_a)]
    cps_b = [pltpu.async_copy(img_hbm.at[pl.ds(row0 + 48, 48)], buf_b, sem_b)]

    lane = lax.iota(jnp.int32, 16)

    a0 = par_v[0]
    a1 = par_v[1]
    b0 = par_v[2]
    b1 = par_v[3]
    cm = par_v[4]

    def do_chunk(buf, cc):
        def sample_body(s, _):
            acc = jnp.zeros((16,), jnp.float32)
            for r in range(3):
                off2 = jnp.int32(800 * r) + lane

                def body(j, acc):
                    v64 = buf[3 * s + r, pl.ds(j * 64, 64)]
                    w = plsc.bitcast(v64, jnp.int32)
                    for k in range(4):
                        if k == 0:
                            ti = (w << 4) & 0xFF0
                        else:
                            ti = (w >> (8 * k - 4)) & 0xFF0
                        acc = acc + plsc.load_gather(tbl_v, [ti + off2])
                    return acc

                acc = lax.fori_loop(0, _ROW // 64, body, acc, unroll=4)
            plsc.store_scatter(scr_v, [s * 17 + lane], acc)
            return 0

        lax.fori_loop(0, 16, sample_body, 0)

        s_acc = jnp.zeros((16,), jnp.float32)
        for p in range(16):
            s_acc = s_acc + plsc.load_gather(scr_v, [lane * 17 + p])

        mean = s_acc / 10.0 + cm
        orow = jnp.int32(16 * cc) + lane
        plsc.store_scatter(out_v, [orow, jnp.zeros((16,), jnp.int32)],
                           mean * a0 + b0)
        plsc.store_scatter(out_v, [orow, jnp.ones((16,), jnp.int32)],
                           mean * a1 + b1)

    for cp in cps_a:
        cp.wait()
    do_chunk(buf_a, 0)
    for cp in cps_b:
        cp.wait()
    do_chunk(buf_b, 1)

    pltpu.sync_copy(out_v, out_hbm.at[pl.ds(wid * _SPW, _SPW)])


@jax.jit
def _run(img, tbl, par):
    mesh = plsc.VectorSubcoreMesh(core_axis_name="c", subcore_axis_name="s")
    return pl.kernel(
        _sc_body,
        out_type=jax.ShapeDtypeStruct((_N, 2), jnp.float32),
        mesh=mesh,
        compiler_params=pltpu.CompilerParams(use_tc_tiling_on_sc=False,
                                             needs_layout_passes=False),
        scratch_types=[
            pltpu.VMEM((48, _ROW), jnp.uint8),
            pltpu.VMEM((48, _ROW), jnp.uint8),
            pltpu.VMEM((_TBL * 16,), jnp.float32),
            pltpu.VMEM((8, 16), jnp.float32),
            pltpu.VMEM((272,), jnp.float32),
            pltpu.VMEM((_SPW, 2), jnp.float32),
            pltpu.SemaphoreType.DMA,
            pltpu.SemaphoreType.DMA,
        ],
    )(img, tbl, par)


def kernel(images, W_mlp, b_mlp, W_final, b_final):
    t = jnp.transpose(images[:, ::3], (0, 1, 3, 2))
    img = (t * 50.0).astype(jnp.uint8).reshape(_N * 3, _ROW)
    tbl = jnp.repeat(
        jnp.zeros((_TBL,), jnp.float32).at[:150].set(W_mlp[0]), 16)
    rs = W_final.sum(axis=1)
    par = (jnp.zeros((8, 16), jnp.float32)
           .at[0].set(rs[0])
           .at[1].set(rs[1])
           .at[2].set(b_final[0])
           .at[3].set(b_final[1])
           .at[4].set(b_mlp[0]))
    return _run(img, tbl, par)

# --- scband reference (transcript-rebuilt; emitter-appended) ---
"""Pipeline reference for scband-summa-cconv-29300266893595 (READ-ONLY COPY).

The authoritative reference and input builder live on the scoring server;
editing this copy changes nothing except your own understanding.
"""

import jax, jax.numpy as jnp
import numpy as np

N = 1024
N_DEPTH = 9
N_ORI = 128
N_GEN = 10
N_BINS = 50
SEL = np.array([0, 3, 6])  # i_depth % 3 == 0 -> 'e' label channels
FULL = len(SEL) * N_BINS  # 150


def setup_inputs(seed: int = 0) -> dict:
    key = jax.random.key(seed)
    k1, k2, k3, k4 = jax.random.split(key, 4)
    images = jax.random.uniform(k1, (N, N_DEPTH, N_ORI, N_GEN), dtype=jnp.float32)
    W_mlp = jax.random.normal(k2, (1, FULL), dtype=jnp.float32) * 0.05
    b_mlp = jnp.zeros((1,), dtype=jnp.float32)
    W_final = jax.random.normal(k3, (2, 3), dtype=jnp.float32) * 0.1
    b_final = jnp.zeros((2,), dtype=jnp.float32)
    return {"images": images, "W_mlp": W_mlp, "b_mlp": b_mlp,
            "W_final": W_final, "b_final": b_final}


def _histograms(images):
    # select 'e' channels: depths 0, 3, 6
    vals = images[:, jnp.asarray(SEL), :, :]            # [N, 3, N_ORI, N_GEN]
    vals = jnp.transpose(vals, (0, 3, 1, 2))            # [N, N_GEN, 3, N_ORI]
    # even50 bins over [0,1]; last bin right-inclusive like np.histogram
    v = jax.lax.stop_gradient(vals)
    bin_idx = jnp.clip(jnp.floor(v * N_BINS), 0, N_BINS - 1).astype(jnp.int32)
    base = (jnp.arange(N * N_GEN * 3, dtype=jnp.int32)
            .reshape(N, N_GEN, 3, 1)) * N_BINS
    flat = (base + bin_idx).reshape(-1)
    counts = jnp.bincount(flat, length=N * N_GEN * 3 * N_BINS)
    # per gen sentence, concat histos over selected depths -> [N, n_rows=10, 150]
    return counts.reshape(N, N_GEN, FULL).astype(jnp.float32)


def reference(images, W_mlp, b_mlp, W_final, b_final):
    histograms = _histograms(images)                    # [N, 10, 150]
    non_zeros = (jnp.sum(histograms, axis=-1) != 0.0)   # [N, 10]
    mask = non_zeros.astype(jnp.float32)
    seq_len = jnp.sum(mask, axis=-1)                    # [N]
    mlp_outs = (histograms @ W_mlp.T + b_mlp).reshape(N, N_GEN)
    # agg == 'mean' over the first seq_len rows (all rows non-zero here)
    mean_R = jnp.sum(mlp_outs * mask, axis=-1) / jnp.maximum(seq_len, 1.0)
    feat = jnp.stack([mean_R, mean_R, mean_R], axis=-1)  # [N, 3]
    feat = jnp.where(seq_len[:, None] > 0, feat, 0.0)
    logits = feat @ W_final.T + b_final                 # [N, 2]
    return logits

if __name__ == "__main__":
    import jax
    _d = setup_inputs()
    print(jax.jit(kernel)(*tuple(_d.values())))

</pallas_src>

<mosaic_0001>
#map = affine_map<(d0, d1) -> (0, 0)>
#map1 = affine_map<(d0, d1) -> (0)>
module attributes {stable_mosaic.version = 14 : i64} {
  func.func @_sc_body(%arg0: i32, %arg1: i32, %arg2: memref<3072x1280xi8, #tpu.memory_space<hbm>>, %arg3: memref<2560xf32, #tpu.memory_space<hbm>>, %arg4: memref<8x16xf32, #tpu.memory_space<hbm>>, %arg5: memref<1024x2xf32, #tpu.memory_space<hbm>>, %arg6: memref<48x1280xi8, #tpu.memory_space<vmem>>, %arg7: memref<48x1280xi8, #tpu.memory_space<vmem>>, %arg8: memref<2560xf32, #tpu.memory_space<vmem>>, %arg9: memref<8x16xf32, #tpu.memory_space<vmem>>, %arg10: memref<272xf32, #tpu.memory_space<vmem>>, %arg11: memref<32x2xf32, #tpu.memory_space<vmem>>, %arg12: memref<!tpu.dma_semaphore, #tpu.memory_space<semaphore_mem>>, %arg13: memref<!tpu.dma_semaphore, #tpu.memory_space<semaphore_mem>>) attributes {dimension_semantics = [#tpu.dimension_semantics<core_parallel>, #tpu.dimension_semantics<subcore_parallel>], iteration_bounds = array<i64: 2, 16>, scalar_prefetch = 0 : i64, scratch_operands = 8 : i64, tpu.core_type = #tpu.core_type<sc_vector_subcore>, window_params = [{transform_indices = #map}, {transform_indices = #map1}, {transform_indices = #map}, {transform_indices = #map}]} {
    %mul3A = arith.constant 2 : i32
    %mul3A_0 = arith.muli %arg1, %mul3A : i32
    %add3A = arith.addi %mul3A_0, %arg0 : i32
    "tpu.region"() ({
      %run_scoped3A = tpu.sem_alloc : memref<!tpu.dma_semaphore, #tpu.memory_space<semaphore_mem>>
      tpu.enqueue_dma source(%arg3 : memref<2560xf32, #tpu.memory_space<hbm>>) target(%arg8 : memref<2560xf32, #tpu.memory_space<vmem>>) target_semaphore(%run_scoped3A : memref<!tpu.dma_semaphore, #tpu.memory_space<semaphore_mem>>)
      tpu.wait_dma2 semaphore(%run_scoped3A : memref<!tpu.dma_semaphore, #tpu.memory_space<semaphore_mem>>) src(%arg3 : memref<2560xf32, #tpu.memory_space<hbm>>) dst(%arg8 : memref<2560xf32, #tpu.memory_space<vmem>>)
      tpu.yield
    }) : () -> ()
    "tpu.region"() ({
      %run_scoped3A = tpu.sem_alloc : memref<!tpu.dma_semaphore, #tpu.memory_space<semaphore_mem>>
      tpu.enqueue_dma source(%arg4 : memref<8x16xf32, #tpu.memory_space<hbm>>) target(%arg9 : memref<8x16xf32, #tpu.memory_space<vmem>>) target_semaphore(%run_scoped3A : memref<!tpu.dma_semaphore, #tpu.memory_space<semaphore_mem>>)
      tpu.wait_dma2 semaphore(%run_scoped3A : memref<!tpu.dma_semaphore, #tpu.memory_space<semaphore_mem>>) src(%arg4 : memref<8x16xf32, #tpu.memory_space<hbm>>) dst(%arg9 : memref<8x16xf32, #tpu.memory_space<vmem>>)
      tpu.yield
    }) : () -> ()
    %mul3A_1 = arith.constant 96 : i32
    %mul3A_2 = arith.muli %add3A, %mul3A_1 : i32
    %dma_start3A = arith.constant 0 : i32
    %dma_start3A_3 = tpu.memref_slice %arg2[%mul3A_2, %dma_start3A] : memref<3072x1280xi8, #tpu.memory_space<hbm>> -> memref<48x1280xi8, #tpu.memory_space<hbm>>
    %dma_start3A_4 = arith.constant 0 : i32
    %dma_start3A_5 = tpu.memref_slice %arg2[%mul3A_2, %dma_start3A_4] : memref<3072x1280xi8, #tpu.memory_space<hbm>> -> memref<48x1280xi8, #tpu.memory_space<hbm>>
    tpu.enqueue_dma source(%dma_start3A_5 : memref<48x1280xi8, #tpu.memory_space<hbm>>) target(%arg6 : memref<48x1280xi8, #tpu.memory_space<vmem>>) target_semaphore(%arg12 : memref<!tpu.dma_semaphore, #tpu.memory_space<semaphore_mem>>)
    %add3A_6 = arith.constant 48 : i32
    %add3A_7 = arith.addi %mul3A_2, %add3A_6 : i32
    %dma_start3A_8 = arith.constant 0 : i32
    %dma_start3A_9 = tpu.memref_slice %arg2[%add3A_7, %dma_start3A_8] : memref<3072x1280xi8, #tpu.memory_space<hbm>> -> memref<48x1280xi8, #tpu.memory_space<hbm>>
    %dma_start3A_10 = arith.constant 0 : i32
    %dma_start3A_11 = tpu.memref_slice %arg2[%add3A_7, %dma_start3A_10] : memref<3072x1280xi8, #tpu.memory_space<hbm>> -> memref<48x1280xi8, #tpu.memory_space<hbm>>
    tpu.enqueue_dma source(%dma_start3A_11 : memref<48x1280xi8, #tpu.memory_space<hbm>>) target(%arg7 : memref<48x1280xi8, #tpu.memory_space<vmem>>) target_semaphore(%arg13 : memref<!tpu.dma_semaphore, #tpu.memory_space<semaphore_mem>>)
    %iota3A = tpu.iota {dimensions = array<i32: 0>} : vector<16xi32>
    %get3A = arith.constant 0 : i32
    %get3A_12 = arith.index_cast %get3A : i32 to index
    %get3A_13 = arith.constant 0 : index
    %get3A_14 = tpu.vector_load %arg9[%get3A_12, %get3A_13] {strides = array<i32>} : memref<8x16xf32, #tpu.memory_space<vmem>>, vector<16xf32>,
    %get3A_15 = arith.constant 1 : i32
    %get3A_16 = arith.index_cast %get3A_15 : i32 to index
    %get3A_17 = arith.constant 0 : index
    %get3A_18 = tpu.vector_load %arg9[%get3A_16, %get3A_17] {strides = array<i32>} : memref<8x16xf32, #tpu.memory_space<vmem>>, vector<16xf32>,
    %get3A_19 = arith.constant 2 : i32
    %get3A_20 = arith.index_cast %get3A_19 : i32 to index
    %get3A_21 = arith.constant 0 : index
    %get3A_22 = tpu.vector_load %arg9[%get3A_20, %get3A_21] {strides = array<i32>} : memref<8x16xf32, #tpu.memory_space<vmem>>, vector<16xf32>,
    %get3A_23 = arith.constant 3 : i32
    %get3A_24 = arith.index_cast %get3A_23 : i32 to index
    %get3A_25 = arith.constant 0 : index
    %get3A_26 = tpu.vector_load %arg9[%get3A_24, %get3A_25] {strides = array<i32>} : memref<8x16xf32, #tpu.memory_space<vmem>>, vector<16xf32>,
    %get3A_27 = arith.constant 4 : i32
    %get3A_28 = arith.index_cast %get3A_27 : i32 to index
    %get3A_29 = arith.constant 0 : index
    %get3A_30 = tpu.vector_load %arg9[%get3A_28, %get3A_29] {strides = array<i32>} : memref<8x16xf32, #tpu.memory_space<vmem>>, vector<16xf32>,
    %dma_wait3A = arith.constant 0 : i32
    %dma_wait3A_31 = tpu.memref_slice %arg2[%mul3A_2, %dma_wait3A] : memref<3072x1280xi8, #tpu.memory_space<hbm>> -> memref<48x1280xi8, #tpu.memory_space<hbm>>
    %dma_wait3A_32 = arith.constant 0 : i32
    %dma_wait3A_33 = tpu.memref_slice %arg2[%mul3A_2, %dma_wait3A_32] : memref<3072x1280xi8, #tpu.memory_space<hbm>> -> memref<48x1280xi8, #tpu.memory_space<hbm>>
    tpu.wait_dma2 semaphore(%arg12 : memref<!tpu.dma_semaphore, #tpu.memory_space<semaphore_mem>>) src(%dma_wait3A_33 : memref<48x1280xi8, #tpu.memory_space<hbm>>) dst(%arg6 : memref<48x1280xi8, #tpu.memory_space<vmem>>)
    %scan3A = arith.constant 0 : i32
    %scan3A_34 = arith.constant 0 : i32
    %scan3A_35 = arith.constant 16 : i32
    %scan3A_36 = arith.addi %scan3A_34, %scan3A_35 : i32
    %scan3A_37 = arith.constant 1 : i32
    %scan3A_38 = scf.for %scan3A_340 = %scan3A_34 to %scan3A_36 step %scan3A_37 iter_args(%scan3A_341 = %scan3A) -> (i32)  : i32 {
      %broadcast_in_dim3A_342 = arith.constant 0.000000e+00 : f32
      %broadcast_in_dim3A_343 = vector.broadcast %broadcast_in_dim3A_342 : f32 to vector<16xf32>
      %add3A_344 = arith.constant 0 : i32
      %add3A_345 = vector.broadcast %add3A_344 : i32 to vector<16xi32>
      %add3A_346 = arith.addi %add3A_345, %iota3A : vector<16xi32>
      %scan3A_347 = arith.constant 0 : i32
      %scan3A_348 = arith.constant 20 : i32
      %scan3A_349 = arith.addi %scan3A_347, %scan3A_348 : i32
      %scan3A_350 = arith.constant 4 : i32
      %scan3A_351 = scf.for %scan3A_376 = %scan3A_347 to %scan3A_349 step %scan3A_350 iter_args(%scan3A_377 = %broadcast_in_dim3A_343) -> (vector<16xf32>)  : i32 {
        %mul3A_378 = arith.constant 3 : i32
        %mul3A_379 = arith.muli %mul3A_378, %scan3A_340 : i32
        %add3A_380 = arith.constant 0 : i32
        %add3A_381 = arith.addi %mul3A_379, %add3A_380 : i32
        %mul3A_382 = arith.constant 64 : i32
        %mul3A_383 = arith.muli %scan3A_376, %mul3A_382 : i32
        %get3A_384 = arith.index_cast %add3A_381 : i32 to index
        %get3A_385 = arith.index_cast %mul3A_383 : i32 to index
        %get3A_386 = tpu.vector_load %arg6[%get3A_384, %get3A_385] {strides = array<i32>} : memref<48x1280xi8, #tpu.memory_space<vmem>>, vector<64xi8>,
        %bitcast3A = vector.bitcast %get3A_386 : vector<64xi8> to vector<16xi32>
        %shift_left3A = arith.constant 4 : i32
        %shift_left3A_387 = vector.broadcast %shift_left3A : i32 to vector<16xi32>
        %shift_left3A_388 = arith.shli %bitcast3A, %shift_left3A_387 : vector<16xi32>
        %and3A = arith.constant 4080 : i32
        %and3A_389 = vector.broadcast %and3A : i32 to vector<16xi32>
        %and3A_390 = arith.andi %shift_left3A_388, %and3A_389 : vector<16xi32>
        %add3A_391 = arith.addi %and3A_390, %add3A_346 : vector<16xi32>
        %gather3A_392 = tpu.vector_load_idx %arg8[%add3A_391] : memref<2560xf32, #tpu.memory_space<vmem>>[vector<16xi32>], vector<16xf32>,
        %add3A_393 = arith.addf %scan3A_377, %gather3A_392 : vector<16xf32>
        %shift_right_arithmetic3A = arith.constant 4 : i32
        %shift_right_arithmetic3A_394 = vector.broadcast %shift_right_arithmetic3A : i32 to vector<16xi32>
        %shift_right_arithmetic3A_395 = arith.shrsi %bitcast3A, %shift_right_arithmetic3A_394 : vector<16xi32>
        %and3A_396 = arith.constant 4080 : i32
        %and3A_397 = vector.broadcast %and3A_396 : i32 to vector<16xi32>
        %and3A_398 = arith.andi %shift_right_arithmetic3A_395, %and3A_397 : vector<16xi32>
        %add3A_399 = arith.addi %and3A_398, %add3A_346 : vector<16xi32>
        %gather3A_400 = tpu.vector_load_idx %arg8[%add3A_399] : memref<2560xf32, #tpu.memory_space<vmem>>[vector<16xi32>], vector<16xf32>,
        %add3A_401 = arith.addf %add3A_393, %gather3A_400 : vector<16xf32>
        %shift_right_arithmetic3A_402 = arith.constant 12 : i32
        %shift_right_arithmetic3A_403 = vector.broadcast %shift_right_arithmetic3A_402 : i32 to vector<16xi32>
        %shift_right_arithmetic3A_404 = arith.shrsi %bitcast3A, %shift_right_arithmetic3A_403 : vector<16xi32>
        %and3A_405 = arith.constant 4080 : i32
        %and3A_406 = vector.broadcast %and3A_405 : i32 to vector<16xi32>
        %and3A_407 = arith.andi %shift_right_arithmetic3A_404, %and3A_406 : vector<16xi32>
        %add3A_408 = arith.addi %and3A_407, %add3A_346 : vector<16xi32>
        %gather3A_409 = tpu.vector_load_idx %arg8[%add3A_408] : memref<2560xf32, #tpu.memory_space<vmem>>[vector<16xi32>], vector<16xf32>,
        %add3A_410 = arith.addf %add3A_401, %gather3A_409 : vector<16xf32>
        %shift_right_arithmetic3A_411 = arith.constant 20 : i32
        %shift_right_arithmetic3A_412 = vector.broadcast %shift_right_arithmetic3A_411 : i32 to vector<16xi32>
        %shift_right_arithmetic3A_413 = arith.shrsi %bitcast3A, %shift_right_arithmetic3A_412 : vector<16xi32>
        %and3A_414 = arith.constant 4080 : i32
        %and3A_415 = vector.broadcast %and3A_414 : i32 to vector<16xi32>
        %and3A_416 = arith.andi %shift_right_arithmetic3A_413, %and3A_415 : vector<16xi32>
        %add3A_417 = arith.addi %and3A_416, %add3A_346 : vector<16xi32>
        %gather3A_418 = tpu.vector_load_idx %arg8[%add3A_417] : memref<2560xf32, #tpu.memory_space<vmem>>[vector<16xi32>], vector<16xf32>,
        %add3A_419 = arith.addf %add3A_410, %gather3A_418 : vector<16xf32>
        %scan3A_420 = arith.constant 1 : i32
        %scan3A_421 = arith.addi %scan3A_376, %scan3A_420 : i32
        %mul3A_422 = arith.constant 3 : i32
        %mul3A_423 = arith.muli %mul3A_422, %scan3A_340 : i32
        %add3A_424 = arith.constant 0 : i32
        %add3A_425 = arith.addi %mul3A_423, %add3A_424 : i32
        %mul3A_426 = arith.constant 64 : i32
        %mul3A_427 = arith.muli %scan3A_421, %mul3A_426 : i32
        %get3A_428 = arith.index_cast %add3A_425 : i32 to index
        %get3A_429 = arith.index_cast %mul3A_427 : i32 to index
        %get3A_430 = tpu.vector_load %arg6[%get3A_428, %get3A_429] {strides = array<i32>} : memref<48x1280xi8, #tpu.memory_space<vmem>>, vector<64xi8>,
        %bitcast3A_431 = vector.bitcast %get3A_430 : vector<64xi8> to vector<16xi32>
        %shift_left3A_432 = arith.constant 4 : i32
        %shift_left3A_433 = vector.broadcast %shift_left3A_432 : i32 to vector<16xi32>
        %shift_left3A_434 = arith.shli %bitcast3A_431, %shift_left3A_433 : vector<16xi32>
        %and3A_435 = arith.constant 4080 : i32
        %and3A_436 = vector.broadcast %and3A_435 : i32 to vector<16xi32>
        %and3A_437 = arith.andi %shift_left3A_434, %and3A_436 : vector<16xi32>
        %add3A_438 = arith.addi %and3A_437, %add3A_346 : vector<16xi32>
        %gather3A_439 = tpu.vector_load_idx %arg8[%add3A_438] : memref<2560xf32, #tpu.memory_space<vmem>>[vector<16xi32>], vector<16xf32>,
        %add3A_440 = arith.addf %add3A_419, %gather3A_439 : vector<16xf32>
        %shift_right_arithmetic3A_441 = arith.constant 4 : i32
        %shift_right_arithmetic3A_442 = vector.broadcast %shift_right_arithmetic3A_441 : i32 to vector<16xi32>
        %shift_right_arithmetic3A_443 = arith.shrsi %bitcast3A_431, %shift_right_arithmetic3A_442 : vector<16xi32>
        %and3A_444 = arith.constant 4080 : i32
        %and3A_445 = vector.broadcast %and3A_444 : i32 to vector<16xi32>
        %and3A_446 = arith.andi %shift_right_arithmetic3A_443, %and3A_445 : vector<16xi32>
        %add3A_447 = arith.addi %and3A_446, %add3A_346 : vector<16xi32>
        %gather3A_448 = tpu.vector_load_idx %arg8[%add3A_447] : memref<2560xf32, #tpu.memory_space<vmem>>[vector<16xi32>], vector<16xf32>,
        %add3A_449 = arith.addf %add3A_440, %gather3A_448 : vector<16xf32>
        %shift_right_arithmetic3A_450 = arith.constant 12 : i32
        %shift_right_arithmetic3A_451 = vector.broadcast %shift_right_arithmetic3A_450 : i32 to vector<16xi32>
        %shift_right_arithmetic3A_452 = arith.shrsi %bitcast3A_431, %shift_right_arithmetic3A_451 : vector<16xi32>
        %and3A_453 = arith.constant 4080 : i32
        %and3A_454 = vector.broadcast %and3A_453 : i32 to vector<16xi32>
        %and3A_455 = arith.andi %shift_right_arithmetic3A_452, %and3A_454 : vector<16xi32>
        %add3A_456 = arith.addi %and3A_455, %add3A_346 : vector<16xi32>
        %gather3A_457 = tpu.vector_load_idx %arg8[%add3A_456] : memref<2560xf32, #tpu.memory_space<vmem>>[vector<16xi32>], vector<16xf32>,
        %add3A_458 = arith.addf %add3A_449, %gather3A_457 : vector<16xf32>
        %shift_right_arithmetic3A_459 = arith.constant 20 : i32
        %shift_right_arithmetic3A_460 = vector.broadcast %shift_right_arithmetic3A_459 : i32 to vector<16xi32>
        %shift_right_arithmetic3A_461 = arith.shrsi %bitcast3A_431, %shift_right_arithmetic3A_460 : vector<16xi32>
        %and3A_462 = arith.constant 4080 : i32
        %and3A_463 = vector.broadcast %and3A_462 : i32 to vector<16xi32>
        %and3A_464 = arith.andi %shift_right_arithmetic3A_461, %and3A_463 : vector<16xi32>
        %add3A_465 = arith.addi %and3A_464, %add3A_346 : vector<16xi32>
        %gather3A_466 = tpu.vector_load_idx %arg8[%add3A_465] : memref<2560xf32, #tpu.memory_space<vmem>>[vector<16xi32>], vector<16xf32>,
        %add3A_467 = arith.addf %add3A_458, %gather3A_466 : vector<16xf32>
        %scan3A_468 = arith.constant 2 : i32
        %scan3A_469 = arith.addi %scan3A_376, %scan3A_468 : i32
        %mul3A_470 = arith.constant 3 : i32
        %mul3A_471 = arith.muli %mul3A_470, %scan3A_340 : i32
        %add3A_472 = arith.constant 0 : i32
        %add3A_473 = arith.addi %mul3A_471, %add3A_472 : i32
        %mul3A_474 = arith.constant 64 : i32
        %mul3A_475 = arith.muli %scan3A_469, %mul3A_474 : i32
        %get3A_476 = arith.index_cast %add3A_473 : i32 to index
        %get3A_477 = arith.index_cast %mul3A_475 : i32 to index
        %get3A_478 = tpu.vector_load %arg6[%get3A_476, %get3A_477] {strides = array<i32>} : memref<48x1280xi8, #tpu.memory_space<vmem>>, vector<64xi8>,
        %bitcast3A_479 = vector.bitcast %get3A_478 : vector<64xi8> to vector<16xi32>
        %shift_left3A_480 = arith.constant 4 : i32
        %shift_left3A_481 = vector.broadcast %shift_left3A_480 : i32 to vector<16xi32>
        %shift_left3A_482 = arith.shli %bitcast3A_479, %shift_left3A_481 : vector<16xi32>
        %and3A_483 = arith.constant 4080 : i32
        %and3A_484 = vector.broadcast %and3A_483 : i32 to vector<16xi32>
        %and3A_485 = arith.andi %shift_left3A_482, %and3A_484 : vector<16xi32>
        %add3A_486 = arith.addi %and3A_485, %add3A_346 : vector<16xi32>
        %gather3A_487 = tpu.vector_load_idx %arg8[%add3A_486] : memref<2560xf32, #tpu.memory_space<vmem>>[vector<16xi32>], vector<16xf32>,
        %add3A_488 = arith.addf %add3A_467, %gather3A_487 : vector<16xf32>
        %shift_right_arithmetic3A_489 = arith.constant 4 : i32
        %shift_right_arithmetic3A_490 = vector.broadcast %shift_right_arithmetic3A_489 : i32 to vector<16xi32>
        %shift_right_arithmetic3A_491 = arith.shrsi %bitcast3A_479, %shift_right_arithmetic3A_490 : vector<16xi32>
        %and3A_492 = arith.constant 4080 : i32
        %and3A_493 = vector.broadcast %and3A_492 : i32 to vector<16xi32>
        %and3A_494 = arith.andi %shift_right_arithmetic3A_491, %and3A_493 : vector<16xi32>
        %add3A_495 = arith.addi %and3A_494, %add3A_346 : vector<16xi32>
        %gather3A_496 = tpu.vector_load_idx %arg8[%add3A_495] : memref<2560xf32, #tpu.memory_space<vmem>>[vector<16xi32>], vector<16xf32>,
        %add3A_497 = arith.addf %add3A_488, %gather3A_496 : vector<16xf32>
        %shift_right_arithmetic3A_498 = arith.constant 12 : i32
        %shift_right_arithmetic3A_499 = vector.broadcast %shift_right_arithmetic3A_498 : i32 to vector<16xi32>
        %shift_right_arithmetic3A_500 = arith.shrsi %bitcast3A_479, %shift_right_arithmetic3A_499 : vector<16xi32>
        %and3A_501 = arith.constant 4080 : i32
        %and3A_502 = vector.broadcast %and3A_501 : i32 to vector<16xi32>
        %and3A_503 = arith.andi %shift_right_arithmetic3A_500, %and3A_502 : vector<16xi32>
        %add3A_504 = arith.addi %and3A_503, %add3A_346 : vector<16xi32>
        %gather3A_505 = tpu.vector_load_idx %arg8[%add3A_504] : memref<2560xf32, #tpu.memory_space<vmem>>[vector<16xi32>], vector<16xf32>,
        %add3A_506 = arith.addf %add3A_497, %gather3A_505 : vector<16xf32>
        %shift_right_arithmetic3A_507 = arith.constant 20 : i32
        %shift_right_arithmetic3A_508 = vector.broadcast %shift_right_arithmetic3A_507 : i32 to vector<16xi32>
        %shift_right_arithmetic3A_509 = arith.shrsi %bitcast3A_479, %shift_right_arithmetic3A_508 : vector<16xi32>
        %and3A_510 = arith.constant 4080 : i32
        %and3A_511 = vector.broadcast %and3A_510 : i32 to vector<16xi32>
        %and3A_512 = arith.andi %shift_right_arithmetic3A_509, %and3A_511 : vector<16xi32>
        %add3A_513 = arith.addi %and3A_512, %add3A_346 : vector<16xi32>
        %gather3A_514 = tpu.vector_load_idx %arg8[%add3A_513] : memref<2560xf32, #tpu.memory_space<vmem>>[vector<16xi32>], vector<16xf32>,
        %add3A_515 = arith.addf %add3A_506, %gather3A_514 : vector<16xf32>
        %scan3A_516 = arith.constant 3 : i32
        %scan3A_517 = arith.addi %scan3A_376, %scan3A_516 : i32
        %mul3A_518 = arith.constant 3 : i32
        %mul3A_519 = arith.muli %mul3A_518, %scan3A_340 : i32
        %add3A_520 = arith.constant 0 : i32
        %add3A_521 = arith.addi %mul3A_519, %add3A_520 : i32
        %mul3A_522 = arith.constant 64 : i32
        %mul3A_523 = arith.muli %scan3A_517, %mul3A_522 : i32
        %get3A_524 = arith.index_cast %add3A_521 : i32 to index
        %get3A_525 = arith.index_cast %mul3A_523 : i32 to index
        %get3A_526 = tpu.vector_load %arg6[%get3A_524, %get3A_525] {strides = array<i32>} : memref<48x1280xi8, #tpu.memory_space<vmem>>, vector<64xi8>,
        %bitcast3A_527 = vector.bitcast %get3A_526 : vector<64xi8> to vector<16xi32>
        %shift_left3A_528 = arith.constant 4 : i32
        %shift_left3A_529 = vector.broadcast %shift_left3A_528 : i32 to vector<16xi32>
        %shift_left3A_530 = arith.shli %bitcast3A_527, %shift_left3A_529 : vector<16xi32>
        %and3A_531 = arith.constant 4080 : i32
        %and3A_532 = vector.broadcast %and3A_531 : i32 to vector<16xi32>
        %and3A_533 = arith.andi %shift_left3A_530, %and3A_532 : vector<16xi32>
        %add3A_534 = arith.addi %and3A_533, %add3A_346 : vector<16xi32>
        %gather3A_535 = tpu.vector_load_idx %arg8[%add3A_534] : memref<2560xf32, #tpu.memory_space<vmem>>[vector<16xi32>], vector<16xf32>,
        %add3A_536 = arith.addf %add3A_515, %gather3A_535 : vector<16xf32>
        %shift_right_arithmetic3A_537 = arith.constant 4 : i32
        %shift_right_arithmetic3A_538 = vector.broadcast %shift_right_arithmetic3A_537 : i32 to vector<16xi32>
        %shift_right_arithmetic3A_539 = arith.shrsi %bitcast3A_527, %shift_right_arithmetic3A_538 : vector<16xi32>
        %and3A_540 = arith.constant 4080 : i32
        %and3A_541 = vector.broadcast %and3A_540 : i32 to vector<16xi32>
        %and3A_542 = arith.andi %shift_right_arithmetic3A_539, %and3A_541 : vector<16xi32>
        %add3A_543 = arith.addi %and3A_542, %add3A_346 : vector<16xi32>
        %gather3A_544 = tpu.vector_load_idx %arg8[%add3A_543] : memref<2560xf32, #tpu.memory_space<vmem>>[vector<16xi32>], vector<16xf32>,
        %add3A_545 = arith.addf %add3A_536, %gather3A_544 : vector<16xf32>
        %shift_right_arithmetic3A_546 = arith.constant 12 : i32
        %shift_right_arithmetic3A_547 = vector.broadcast %shift_right_arithmetic3A_546 : i32 to vector<16xi32>
        %shift_right_arithmetic3A_548 = arith.shrsi %bitcast3A_527, %shift_right_arithmetic3A_547 : vector<16xi32>
        %and3A_549 = arith.constant 4080 : i32
        %and3A_550 = vector.broadcast %and3A_549 : i32 to vector<16xi32>
        %and3A_551 = arith.andi %shift_right_arithmetic3A_548, %and3A_550 : vector<16xi32>
        %add3A_552 = arith.addi %and3A_551, %add3A_346 : vector<16xi32>
        %gather3A_553 = tpu.vector_load_idx %arg8[%add3A_552] : memref<2560xf32, #tpu.memory_space<vmem>>[vector<16xi32>], vector<16xf32>,
        %add3A_554 = arith.addf %add3A_545, %gather3A_553 : vector<16xf32>
        %shift_right_arithmetic3A_555 = arith.constant 20 : i32
        %shift_right_arithmetic3A_556 = vector.broadcast %shift_right_arithmetic3A_555 : i32 to vector<16xi32>
        %shift_right_arithmetic3A_557 = arith.shrsi %bitcast3A_527, %shift_right_arithmetic3A_556 : vector<16xi32>
        %and3A_558 = arith.constant 4080 : i32
        %and3A_559 = vector.broadcast %and3A_558 : i32 to vector<16xi32>
        %and3A_560 = arith.andi %shift_right_arithmetic3A_557, %and3A_559 : vector<16xi32>
        %add3A_561 = arith.addi %and3A_560, %add3A_346 : vector<16xi32>
        %gather3A_562 = tpu.vector_load_idx %arg8[%add3A_561] : memref<2560xf32, #tpu.memory_space<vmem>>[vector<16xi32>], vector<16xf32>,
        %add3A_563 = arith.addf %add3A_554, %gather3A_562 : vector<16xf32>
        scf.yield %add3A_563 : vector<16xf32>
      }
      %scan3A_352 = arith.constant 20 : i32
      %add3A_353 = arith.constant 800 : i32
      %add3A_354 = vector.broadcast %add3A_353 : i32 to vector<16xi32>
      %add3A_355 = arith.addi %add3A_354, %iota3A : vector<16xi32>
      %scan3A_356 = arith.constant 0 : i32
      %scan3A_357 = arith.constant 20 : i32
      %scan3A_358 = arith.addi %scan3A_356, %scan3A_357 : i32
      %scan3A_359 = arith.constant 4 : i32
      %scan3A_360 = scf.for %scan3A_376 = %scan3A_356 to %scan3A_358 step %scan3A_359 iter_args(%scan3A_377 = %scan3A_351) -> (vector<16xf32>)  : i32 {
        %mul3A_378 = arith.constant 3 : i32
        %mul3A_379 = arith.muli %mul3A_378, %scan3A_340 : i32
        %add3A_380 = arith.constant 1 : i32
        %add3A_381 = arith.addi %mul3A_379, %add3A_380 : i32
        %mul3A_382 = arith.constant 64 : i32
        %mul3A_383 = arith.muli %scan3A_376, %mul3A_382 : i32
        %get3A_384 = arith.index_cast %add3A_381 : i32 to index
        %get3A_385 = arith.index_cast %mul3A_383 : i32 to index
        %get3A_386 = tpu.vector_load %arg6[%get3A_384, %get3A_385] {strides = array<i32>} : memref<48x1280xi8, #tpu.memory_space<vmem>>, vector<64xi8>,
        %bitcast3A = vector.bitcast %get3A_386 : vector<64xi8> to vector<16xi32>
        %shift_left3A = arith.constant 4 : i32
        %shift_left3A_387 = vector.broadcast %shift_left3A : i32 to vector<16xi32>
        %shift_left3A_388 = arith.shli %bitcast3A, %shift_left3A_387 : vector<16xi32>
        %and3A = arith.constant 4080 : i32
        %and3A_389 = vector.broadcast %and3A : i32 to vector<16xi32>
        %and3A_390 = arith.andi %shift_left3A_388, %and3A_389 : vector<16xi32>
        %add3A_391 = arith.addi %and3A_390, %add3A_355 : vector<16xi32>
        %gather3A_392 = tpu.vector_load_idx %arg8[%add3A_391] : memref<2560xf32, #tpu.memory_space<vmem>>[vector<16xi32>], vector<16xf32>,
        %add3A_393 = arith.addf %scan3A_377, %gather3A_392 : vector<16xf32>
        %shift_right_arithmetic3A = arith.constant 4 : i32
        %shift_right_arithmetic3A_394 = vector.broadcast %shift_right_arithmetic3A : i32 to vector<16xi32>
        %shift_right_arithmetic3A_395 = arith.shrsi %bitcast3A, %shift_right_arithmetic3A_394 : vector<16xi32>
        %and3A_396 = arith.constant 4080 : i32
        %and3A_397 = vector.broadcast %and3A_396 : i32 to vector<16xi32>
        %and3A_398 = arith.andi %shift_right_arithmetic3A_395, %and3A_397 : vector<16xi32>
        %add3A_399 = arith.addi %and3A_398, %add3A_355 : vector<16xi32>
        %gather3A_400 = tpu.vector_load_idx %arg8[%add3A_399] : memref<2560xf32, #tpu.memory_space<vmem>>[vector<16xi32>], vector<16xf32>,
        %add3A_401 = arith.addf %add3A_393, %gather3A_400 : vector<16xf32>
        %shift_right_arithmetic3A_402 = arith.constant 12 : i32
        %shift_right_arithmetic3A_403 = vector.broadcast %shift_right_arithmetic3A_402 : i32 to vector<16xi32>
        %shift_right_arithmetic3A_404 = arith.shrsi %bitcast3A, %shift_right_arithmetic3A_403 : vector<16xi32>
        %and3A_405 = arith.constant 4080 : i32
        %and3A_406 = vector.broadcast %and3A_405 : i32 to vector<16xi32>
        %and3A_407 = arith.andi %shift_right_arithmetic3A_404, %and3A_406 : vector<16xi32>
        %add3A_408 = arith.addi %and3A_407, %add3A_355 : vector<16xi32>
        %gather3A_409 = tpu.vector_load_idx %arg8[%add3A_408] : memref<2560xf32, #tpu.memory_space<vmem>>[vector<16xi32>], vector<16xf32>,
        %add3A_410 = arith.addf %add3A_401, %gather3A_409 : vector<16xf32>
        %shift_right_arithmetic3A_411 = arith.constant 20 : i32
        %shift_right_arithmetic3A_412 = vector.broadcast %shift_right_arithmetic3A_411 : i32 to vector<16xi32>
        %shift_right_arithmetic3A_413 = arith.shrsi %bitcast3A, %shift_right_arithmetic3A_412 : vector<16xi32>
        %and3A_414 = arith.constant 4080 : i32
        %and3A_415 = vector.broadcast %and3A_414 : i32 to vector<16xi32>
        %and3A_416 = arith.andi %shift_right_arithmetic3A_413, %and3A_415 : vector<16xi32>
        %add3A_417 = arith.addi %and3A_416, %add3A_355 : vector<16xi32>
        %gather3A_418 = tpu.vector_load_idx %arg8[%add3A_417] : memref<2560xf32, #tpu.memory_space<vmem>>[vector<16xi32>], vector<16xf32>,
        %add3A_419 = arith.addf %add3A_410, %gather3A_418 : vector<16xf32>
        %scan3A_420 = arith.constant 1 : i32
        %scan3A_421 = arith.addi %scan3A_376, %scan3A_420 : i32
        %mul3A_422 = arith.constant 3 : i32
        %mul3A_423 = arith.muli %mul3A_422, %scan3A_340 : i32
        %add3A_424 = arith.constant 1 : i32
        %add3A_425 = arith.addi %mul3A_423, %add3A_424 : i32
        %mul3A_426 = arith.constant 64 : i32
        %mul3A_427 = arith.muli %scan3A_421, %mul3A_426 : i32
        %get3A_428 = arith.index_cast %add3A_425 : i32 to index
        %get3A_429 = arith.index_cast %mul3A_427 : i32 to index
        %get3A_430 = tpu.vector_load %arg6[%get3A_428, %get3A_429] {strides = array<i32>} : memref<48x1280xi8, #tpu.memory_space<vmem>>, vector<64xi8>,
        %bitcast3A_431 = vector.bitcast %get3A_430 : vector<64xi8> to vector<16xi32>
        %shift_left3A_432 = arith.constant 4 : i32
        %shift_left3A_433 = vector.broadcast %shift_left3A_432 : i32 to vector<16xi32>
        %shift_left3A_434 = arith.shli %bitcast3A_431, %shift_left3A_433 : vector<16xi32>
        %and3A_435 = arith.constant 4080 : i32
        %and3A_436 = vector.broadcast %and3A_435 : i32 to vector<16xi32>
        %and3A_437 = arith.andi %shift_left3A_434, %and3A_436 : vector<16xi32>
        %add3A_438 = arith.addi %and3A_437, %add3A_355 : vector<16xi32>
        %gather3A_439 = tpu.vector_load_idx %arg8[%add3A_438] : memref<2560xf32, #tpu.memory_space<vmem>>[vector<16xi32>], vector<16xf32>,
        %add3A_440 = arith.addf %add3A_419, %gather3A_439 : vector<16xf32>
        %shift_right_arithmetic3A_441 = arith.constant 4 : i32
        %shift_right_arithmetic3A_442 = vector.broadcast %shift_right_arithmetic3A_441 : i32 to vector<16xi32>
        %shift_right_arithmetic3A_443 = arith.shrsi %bitcast3A_431, %shift_right_arithmetic3A_442 : vector<16xi32>
        %and3A_444 = arith.constant 4080 : i32
        %and3A_445 = vector.broadcast %and3A_444 : i32 to vector<16xi32>
        %and3A_446 = arith.andi %shift_right_arithmetic3A_443, %and3A_445 : vector<16xi32>
        %add3A_447 = arith.addi %and3A_446, %add3A_355 : vector<16xi32>
        %gather3A_448 = tpu.vector_load_idx %arg8[%add3A_447] : memref<2560xf32, #tpu.memory_space<vmem>>[vector<16xi32>], vector<16xf32>,
        %add3A_449 = arith.addf %add3A_440, %gather3A_448 : vector<16xf32>
        %shift_right_arithmetic3A_450 = arith.constant 12 : i32
        %shift_right_arithmetic3A_451 = vector.broadcast %shift_right_arithmetic3A_450 : i32 to vector<16xi32>
        %shift_right_arithmetic3A_452 = arith.shrsi %bitcast3A_431, %shift_right_arithmetic3A_451 : vector<16xi32>
        %and3A_453 = arith.constant 4080 : i32
        %and3A_454 = vector.broadcast %and3A_453 : i32 to vector<16xi32>
        %and3A_455 = arith.andi %shift_right_arithmetic3A_452, %and3A_454 : vector<16xi32>
        %add3A_456 = arith.addi %and3A_455, %add3A_355 : vector<16xi32>
        %gather3A_457 = tpu.vector_load_idx %arg8[%add3A_456] : memref<2560xf32, #tpu.memory_space<vmem>>[vector<16xi32>], vector<16xf32>,
        %add3A_458 = arith.addf %add3A_449, %gather3A_457 : vector<16xf32>
        %shift_right_arithmetic3A_459 = arith.constant 20 : i32
        %shift_right_arithmetic3A_460 = vector.broadcast %shift_right_arithmetic3A_459 : i32 to vector<16xi32>
        %shift_right_arithmetic3A_461 = arith.shrsi %bitcast3A_431, %shift_right_arithmetic3A_460 : vector<16xi32>
        %and3A_462 = arith.constant 4080 : i32
        %and3A_463 = vector.broadcast %and3A_462 : i32 to vector<16xi32>
        %and3A_464 = arith.andi %shift_right_arithmetic3A_461, %and3A_463 : vector<16xi32>
        %add3A_465 = arith.addi %and3A_464, %add3A_355 : vector<16xi32>
        %gather3A_466 = tpu.vector_load_idx %arg8[%add3A_465] : memref<2560xf32, #tpu.memory_space<vmem>>[vector<16xi32>], vector<16xf32>,
        %add3A_467 = arith.addf %add3A_458, %gather3A_466 : vector<16xf32>
        %scan3A_468 = arith.constant 2 : i32
        %scan3A_469 = arith.addi %scan3A_376, %scan3A_468 : i32
        %mul3A_470 = arith.constant 3 : i32
        %mul3A_471 = arith.muli %mul3A_470, %scan3A_340 : i32
        %add3A_472 = arith.constant 1 : i32
        %add3A_473 = arith.addi %mul3A_471, %add3A_472 : i32
        %mul3A_474 = arith.constant 64 : i32
        %mul3A_475 = arith.muli %scan3A_469, %mul3A_474 : i32
        %get3A_476 = arith.index_cast %add3A_473 : i32 to index
        %get3A_477 = arith.index_cast %mul3A_475 : i32 to index
        %get3A_478 = tpu.vector_load %arg6[%get3A_476, %get3A_477] {strides = array<i32>} : memref<48x1280xi8, #tpu.memory_space<vmem>>, vector<64xi8>,
        %bitcast3A_479 = vector.bitcast %get3A_478 : vector<64xi8> to vector<16xi32>
        %shift_left3A_480 = arith.constant 4 : i32
        %shift_left3A_481 = vector.broadcast %shift_left3A_480 : i32 to vector<16xi32>
        %shift_left3A_482 = arith.shli %bitcast3A_479, %shift_left3A_481 : vector<16xi32>
        %and3A_483 = arith.constant 4080 : i32
        %and3A_484 = vector.broadcast %and3A_483 : i32 to vector<16xi32>
        %and3A_485 = arith.andi %shift_left3A_482, %and3A_484 : vector<16xi32>
        %add3A_486 = arith.addi %and3A_485, %add3A_355 : vector<16xi32>
        %gather3A_487 = tpu.vector_load_idx %arg8[%add3A_486] : memref<2560xf32, #tpu.memory_space<vmem>>[vector<16xi32>], vector<16xf32>,
        %add3A_488 = arith.addf %add3A_467, %gather3A_487 : vector<16xf32>
        %shift_right_arithmetic3A_489 = arith.constant 4 : i32
        %shift_right_arithmetic3A_490 = vector.broadcast %shift_right_arithmetic3A_489 : i32 to vector<16xi32>
        %shift_right_arithmetic3A_491 = arith.shrsi %bitcast3A_479, %shift_right_arithmetic3A_490 : vector<16xi32>
        %and3A_492 = arith.constant 4080 : i32
        %and3A_493 = vector.broadcast %and3A_492 : i32 to vector<16xi32>
        %and3A_494 = arith.andi %shift_right_arithmetic3A_491, %and3A_493 : vector<16xi32>
        %add3A_495 = arith.addi %and3A_494, %add3A_355 : vector<16xi32>
        %gather3A_496 = tpu.vector_load_idx %arg8[%add3A_495] : memref<2560xf32, #tpu.memory_space<vmem>>[vector<16xi32>], vector<16xf32>,
        %add3A_497 = arith.addf %add3A_488, %gather3A_496 : vector<16xf32>
        %shift_right_arithmetic3A_498 = arith.constant 12 : i32
        %shift_right_arithmetic3A_499 = vector.broadcast %shift_right_arithmetic3A_498 : i32 to vector<16xi32>
        %shift_right_arithmetic3A_500 = arith.shrsi %bitcast3A_479, %shift_right_arithmetic3A_499 : vector<16xi32>
        %and3A_501 = arith.constant 4080 : i32
        %and3A_502 = vector.broadcast %and3A_501 : i32 to vector<16xi32>
        %and3A_503 = arith.andi %shift_right_arithmetic3A_500, %and3A_502 : vector<16xi32>
        %add3A_504 = arith.addi %and3A_503, %add3A_355 : vector<16xi32>
        %gather3A_505 = tpu.vector_load_idx %arg8[%add3A_504] : memref<2560xf32, #tpu.memory_space<vmem>>[vector<16xi32>], vector<16xf32>,
        %add3A_506 = arith.addf %add3A_497, %gather3A_505 : vector<16xf32>
        %shift_right_arithmetic3A_507 = arith.constant 20 : i32
        %shift_right_arithmetic3A_508 = vector.broadcast %shift_right_arithmetic3A_507 : i32 to vector<16xi32>
        %shift_right_arithmetic3A_509 = arith.shrsi %bitcast3A_479, %shift_right_arithmetic3A_508 : vector<16xi32>
        %and3A_510 = arith.constant 4080 : i32
        %and3A_511 = vector.broadcast %and3A_510 : i32 to vector<16xi32>
        %and3A_512 = arith.andi %shift_right_arithmetic3A_509, %and3A_511 : vector<16xi32>
        %add3A_513 = arith.addi %and3A_512, %add3A_355 : vector<16xi32>
        %gather3A_514 = tpu.vector_load_idx %arg8[%add3A_513] : memref<2560xf32, #tpu.memory_space<vmem>>[vector<16xi32>], vector<16xf32>,
        %add3A_515 = arith.addf %add3A_506, %gather3A_514 : vector<16xf32>
        %scan3A_516 = arith.constant 3 : i32
        %scan3A_517 = arith.addi %scan3A_376, %scan3A_516 : i32
        %mul3A_518 = arith.constant 3 : i32
        %mul3A_519 = arith.muli %mul3A_518, %scan3A_340 : i32
        %add3A_520 = arith.constant 1 : i32
        %add3A_521 = arith.addi %mul3A_519, %add3A_520 : i32
        %mul3A_522 = arith.constant 64 : i32
        %mul3A_523 = arith.muli %scan3A_517, %mul3A_522 : i32
        %get3A_524 = arith.index_cast %add3A_521 : i32 to index
        %get3A_525 = arith.index_cast %mul3A_523 : i32 to index
        %get3A_526 = tpu.vector_load %arg6[%get3A_524, %get3A_525] {strides = array<i32>} : memref<48x1280xi8, #tpu.memory_space<vmem>>, vector<64xi8>,
        %bitcast3A_527 = vector.bitcast %get3A_526 : vector<64xi8> to vector<16xi32>
        %shift_left3A_528 = arith.constant 4 : i32
        %shift_left3A_529 = vector.broadcast %shift_left3A_528 : i32 to vector<16xi32>
        %shift_left3A_530 = arith.shli %bitcast3A_527, %shift_left3A_529 : vector<16xi32>
        %and3A_531 = arith.constant 4080 : i32
        %and3A_532 = vector.broadcast %and3A_531 : i32 to vector<16xi32>
        %and3A_533 = arith.andi %shift_left3A_530, %and3A_532 : vector<16xi32>
        %add3A_534 = arith.addi %and3A_533, %add3A_355 : vector<16xi32>
        %gather3A_535 = tpu.vector_load_idx %arg8[%add3A_534] : memref<2560xf32, #tpu.memory_space<vmem>>[vector<16xi32>], vector<16xf32>,
        %add3A_536 = arith.addf %add3A_515, %gather3A_535 : vector<16xf32>
        %shift_right_arithmetic3A_537 = arith.constant 4 : i32
        %shift_right_arithmetic3A_538 = vector.broadcast %shift_right_arithmetic3A_537 : i32 to vector<16xi32>
        %shift_right_arithmetic3A_539 = arith.shrsi %bitcast3A_527, %shift_right_arithmetic3A_538 : vector<16xi32>
        %and3A_540 = arith.constant 4080 : i32
        %and3A_541 = vector.broadcast %and3A_540 : i32 to vector<16xi32>
        %and3A_542 = arith.andi %shift_right_arithmetic3A_539, %and3A_541 : vector<16xi32>
        %add3A_543 = arith.addi %and3A_542, %add3A_355 : vector<16xi32>
        %gather3A_544 = tpu.vector_load_idx %arg8[%add3A_543] : memref<2560xf32, #tpu.memory_space<vmem>>[vector<16xi32>], vector<16xf32>,
        %add3A_545 = arith.addf %add3A_536, %gather3A_544 : vector<16xf32>
        %shift_right_arithmetic3A_546 = arith.constant 12 : i32
        %shift_right_arithmetic3A_547 = vector.broadcast %shift_right_arithmetic3A_546 : i32 to vector<16xi32>
        %shift_right_arithmetic3A_548 = arith.shrsi %bitcast3A_527, %shift_right_arithmetic3A_547 : vector<16xi32>
        %and3A_549 = arith.constant 4080 : i32
        %and3A_550 = vector.broadcast %and3A_549 : i32 to vector<16xi32>
        %and3A_551 = arith.andi %shift_right_arithmetic3A_548, %and3A_550 : vector<16xi32>
        %add3A_552 = arith.addi %and3A_551, %add3A_355 : vector<16xi32>
        %gather3A_553 = tpu.vector_load_idx %arg8[%add3A_552] : memref<2560xf32, #tpu.memory_space<vmem>>[vector<16xi32>], vector<16xf32>,
        %add3A_554 = arith.addf %add3A_545, %gather3A_553 : vector<16xf32>
        %shift_right_arithmetic3A_555 = arith.constant 20 : i32
        %shift_right_arithmetic3A_556 = vector.broadcast %shift_right_arithmetic3A_555 : i32 to vector<16xi32>
        %shift_right_arithmetic3A_557 = arith.shrsi %bitcast3A_527, %shift_right_arithmetic3A_556 : vector<16xi32>
        %and3A_558 = arith.constant 4080 : i32
        %and3A_559 = vector.broadcast %and3A_558 : i32 to vector<16xi32>
        %and3A_560 = arith.andi %shift_right_arithmetic3A_557, %and3A_559 : vector<16xi32>
        %add3A_561 = arith.addi %and3A_560, %add3A_355 : vector<16xi32>
        %gather3A_562 = tpu.vector_load_idx %arg8[%add3A_561] : memref<2560xf32, #tpu.memory_space<vmem>>[vector<16xi32>], vector<16xf32>,
        %add3A_563 = arith.addf %add3A_554, %gather3A_562 : vector<16xf32>
        scf.yield %add3A_563 : vector<16xf32>
      }
      %scan3A_361 = arith.constant 20 : i32
      %add3A_362 = arith.constant 1600 : i32
      %add3A_363 = vector.broadcast %add3A_362 : i32 to vector<16xi32>
      %add3A_364 = arith.addi %add3A_363, %iota3A : vector<16xi32>
      %scan3A_365 = arith.constant 0 : i32
      %scan3A_366 = arith.constant 20 : i32
      %scan3A_367 = arith.addi %scan3A_365, %scan3A_366 : i32
      %scan3A_368 = arith.constant 4 : i32
      %scan3A_369 = scf.for %scan3A_376 = %scan3A_365 to %scan3A_367 step %scan3A_368 iter_args(%scan3A_377 = %scan3A_360) -> (vector<16xf32>)  : i32 {
        %mul3A_378 = arith.constant 3 : i32
        %mul3A_379 = arith.muli %mul3A_378, %scan3A_340 : i32
        %add3A_380 = arith.constant 2 : i32
        %add3A_381 = arith.addi %mul3A_379, %add3A_380 : i32
        %mul3A_382 = arith.constant 64 : i32
        %mul3A_383 = arith.muli %scan3A_376, %mul3A_382 : i32
        %get3A_384 = arith.index_cast %add3A_381 : i32 to index
        %get3A_385 = arith.index_cast %mul3A_383 : i32 to index
        %get3A_386 = tpu.vector_load %arg6[%get3A_384, %get3A_385] {strides = array<i32>} : memref<48x1280xi8, #tpu.memory_space<vmem>>, vector<64xi8>,
        %bitcast3A = vector.bitcast %get3A_386 : vector<64xi8> to vector<16xi32>
        %shift_left3A = arith.constant 4 : i32
        %shift_left3A_387 = vector.broadcast %shift_left3A : i32 to vector<16xi32>
        %shift_left3A_388 = arith.shli %bitcast3A, %shift_left3A_387 : vector<16xi32>
        %and3A = arith.constant 4080 : i32
        %and3A_389 = vector.broadcast %and3A : i32 to vector<16xi32>
        %and3A_390 = arith.andi %shift_left3A_388, %and3A_389 : vector<16xi32>
        %add3A_391 = arith.addi %and3A_390, %add3A_364 : vector<16xi32>
        %gather3A_392 = tpu.vector_load_idx %arg8[%add3A_391] : memref<2560xf32, #tpu.memory_space<vmem>>[vector<16xi32>], vector<16xf32>,
        %add3A_393 = arith.addf %scan3A_377, %gather3A_392 : vector<16xf32>
        %shift_right_arithmetic3A = arith.constant 4 : i32
        %shift_right_arithmetic3A_394 = vector.broadcast %shift_right_arithmetic3A : i32 to vector<16xi32>
        %shift_right_arithmetic3A_395 = arith.shrsi %bitcast3A, %shift_right_arithmetic3A_394 : vector<16xi32>
        %and3A_396 = arith.constant 4080 : i32
        %and3A_397 = vector.broadcast %and3A_396 : i32 to vector<16xi32>
        %and3A_398 = arith.andi %shift_right_arithmetic3A_395, %and3A_397 : vector<16xi32>
        %add3A_399 = arith.addi %and3A_398, %add3A_364 : vector<16xi32>
        %gather3A_400 = tpu.vector_load_idx %arg8[%add3A_399] : memref<2560xf32, #tpu.memory_space<vmem>>[vector<16xi32>], vector<16xf32>,
        %add3A_401 = arith.addf %add3A_393, %gather3A_400 : vector<16xf32>
        %shift_right_arithmetic3A_402 = arith.constant 12 : i32
        %shift_right_arithmetic3A_403 = vector.broadcast %shift_right_arithmetic3A_402 : i32 to vector<16xi32>
        %shift_right_arithmetic3A_404 = arith.shrsi %bitcast3A, %shift_right_arithmetic3A_403 : vector<16xi32>
        %and3A_405 = arith.constant 4080 : i32
        %and3A_406 = vector.broadcast %and3A_405 : i32 to vector<16xi32>
        %and3A_407 = arith.andi %shift_right_arithmetic3A_404, %and3A_406 : vector<16xi32>
        %add3A_408 = arith.addi %and3A_407, %add3A_364 : vector<16xi32>
        %gather3A_409 = tpu.vector_load_idx %arg8[%add3A_408] : memref<2560xf32, #tpu.memory_space<vmem>>[vector<16xi32>], vector<16xf32>,
        %add3A_410 = arith.addf %add3A_401, %gather3A_409 : vector<16xf32>
        %shift_right_arithmetic3A_411 = arith.constant 20 : i32
        %shift_right_arithmetic3A_412 = vector.broadcast %shift_right_arithmetic3A_411 : i32 to vector<16xi32>
        %shift_right_arithmetic3A_413 = arith.shrsi %bitcast3A, %shift_right_arithmetic3A_412 : vector<16xi32>
        %and3A_414 = arith.constant 4080 : i32
        %and3A_415 = vector.broadcast %and3A_414 : i32 to vector<16xi32>
        %and3A_416 = arith.andi %shift_right_arithmetic3A_413, %and3A_415 : vector<16xi32>
        %add3A_417 = arith.addi %and3A_416, %add3A_364 : vector<16xi32>
        %gather3A_418 = tpu.vector_load_idx %arg8[%add3A_417] : memref<2560xf32, #tpu.memory_space<vmem>>[vector<16xi32>], vector<16xf32>,
        %add3A_419 = arith.addf %add3A_410, %gather3A_418 : vector<16xf32>
        %scan3A_420 = arith.constant 1 : i32
        %scan3A_421 = arith.addi %scan3A_376, %scan3A_420 : i32
        %mul3A_422 = arith.constant 3 : i32
        %mul3A_423 = arith.muli %mul3A_422, %scan3A_340 : i32
        %add3A_424 = arith.constant 2 : i32
        %add3A_425 = arith.addi %mul3A_423, %add3A_424 : i32
        %mul3A_426 = arith.constant 64 : i32
        %mul3A_427 = arith.muli %scan3A_421, %mul3A_426 : i32
        %get3A_428 = arith.index_cast %add3A_425 : i32 to index
        %get3A_429 = arith.index_cast %mul3A_427 : i32 to index
        %get3A_430 = tpu.vector_load %arg6[%get3A_428, %get3A_429] {strides = array<i32>} : memref<48x1280xi8, #tpu.memory_space<vmem>>, vector<64xi8>,
        %bitcast3A_431 = vector.bitcast %get3A_430 : vector<64xi8> to vector<16xi32>
        %shift_left3A_432 = arith.constant 4 : i32
        %shift_left3A_433 = vector.broadcast %shift_left3A_432 : i32 to vector<16xi32>
        %shift_left3A_434 = arith.shli %bitcast3A_431, %shift_left3A_433 : vector<16xi32>
        %and3A_435 = arith.constant 4080 : i32
        %and3A_436 = vector.broadcast %and3A_435 : i32 to vector<16xi32>
        %and3A_437 = arith.andi %shift_left3A_434, %and3A_436 : vector<16xi32>
        %add3A_438 = arith.addi %and3A_437, %add3A_364 : vector<16xi32>
        %gather3A_439 = tpu.vector_load_idx %arg8[%add3A_438] : memref<2560xf32, #tpu.memory_space<vmem>>[vector<16xi32>], vector<16xf32>,
        %add3A_440 = arith.addf %add3A_419, %gather3A_439 : vector<16xf32>
        %shift_right_arithmetic3A_441 = arith.constant 4 : i32
        %shift_right_arithmetic3A_442 = vector.broadcast %shift_right_arithmetic3A_441 : i32 to vector<16xi32>
        %shift_right_arithmetic3A_443 = arith.shrsi %bitcast3A_431, %shift_right_arithmetic3A_442 : vector<16xi32>
        %and3A_444 = arith.constant 4080 : i32
        %and3A_445 = vector.broadcast %and3A_444 : i32 to vector<16xi32>
        %and3A_446 = arith.andi %shift_right_arithmetic3A_443, %and3A_445 : vector<16xi32>
        %add3A_447 = arith.addi %and3A_446, %add3A_364 : vector<16xi32>
        %gather3A_448 = tpu.vector_load_idx %arg8[%add3A_447] : memref<2560xf32, #tpu.memory_space<vmem>>[vector<16xi32>], vector<16xf32>,
        %add3A_449 = arith.addf %add3A_440, %gather3A_448 : vector<16xf32>
        %shift_right_arithmetic3A_450 = arith.constant 12 : i32
        %shift_right_arithmetic3A_451 = vector.broadcast %shift_right_arithmetic3A_450 : i32 to vector<16xi32>
        %shift_right_arithmetic3A_452 = arith.shrsi %bitcast3A_431, %shift_right_arithmetic3A_451 : vector<16xi32>
        %and3A_453 = arith.constant 4080 : i32
        %and3A_454 = vector.broadcast %and3A_453 : i32 to vector<16xi32>
        %and3A_455 = arith.andi %shift_right_arithmetic3A_452, %and3A_454 : vector<16xi32>
        %add3A_456 = arith.addi %and3A_455, %add3A_364 : vector<16xi32>
        %gather3A_457 = tpu.vector_load_idx %arg8[%add3A_456] : memref<2560xf32, #tpu.memory_space<vmem>>[vector<16xi32>], vector<16xf32>,
        %add3A_458 = arith.addf %add3A_449, %gather3A_457 : vector<16xf32>
        %shift_right_arithmetic3A_459 = arith.constant 20 : i32
        %shift_right_arithmetic3A_460 = vector.broadcast %shift_right_arithmetic3A_459 : i32 to vector<16xi32>
        %shift_right_arithmetic3A_461 = arith.shrsi %bitcast3A_431, %shift_right_arithmetic3A_460 : vector<16xi32>
        %and3A_462 = arith.constant 4080 : i32
        %and3A_463 = vector.broadcast %and3A_462 : i32 to vector<16xi32>
        %and3A_464 = arith.andi %shift_right_arithmetic3A_461, %and3A_463 : vector<16xi32>
        %add3A_465 = arith.addi %and3A_464, %add3A_364 : vector<16xi32>
        %gather3A_466 = tpu.vector_load_idx %arg8[%add3A_465] : memref<2560xf32, #tpu.memory_space<vmem>>[vector<16xi32>], vector<16xf32>,
        %add3A_467 = arith.addf %add3A_458, %gather3A_466 : vector<16xf32>
        %scan3A_468 = arith.constant 2 : i32
        %scan3A_469 = arith.addi %scan3A_376, %scan3A_468 : i32
        %mul3A_470 = arith.constant 3 : i32
        %mul3A_471 = arith.muli %mul3A_470, %scan3A_340 : i32
        %add3A_472 = arith.constant 2 : i32
        %add3A_473 = arith.addi %mul3A_471, %add3A_472 : i32
        %mul3A_474 = arith.constant 64 : i32
        %mul3A_475 = arith.muli %scan3A_469, %mul3A_474 : i32
        %get3A_476 = arith.index_cast %add3A_473 : i32 to index
        %get3A_477 = arith.index_cast %mul3A_475 : i32 to index
        %get3A_478 = tpu.vector_load %arg6[%get3A_476, %get3A_477] {strides = array<i32>} : memref<48x1280xi8, #tpu.memory_space<vmem>>, vector<64xi8>,
        %bitcast3A_479 = vector.bitcast %get3A_478 : vector<64xi8> to vector<16xi32>
        %shift_left3A_480 = arith.constant 4 : i32
        %shift_left3A_481 = vector.broadcast %shift_left3A_480 : i32 to vector<16xi32>
        %shift_left3A_482 = arith.shli %bitcast3A_479, %shift_left3A_481 : vector<16xi32>
        %and3A_483 = arith.constant 4080 : i32
        %and3A_484 = vector.broadcast %and3A_483 : i32 to vector<16xi32>
        %and3A_485 = arith.andi %shift_left3A_482, %and3A_484 : vector<16xi32>
        %add3A_486 = arith.addi %and3A_485, %add3A_364 : vector<16xi32>
        %gather3A_487 = tpu.vector_load_idx %arg8[%add3A_486] : memref<2560xf32, #tpu.memory_space<vmem>>[vector<16xi32>], vector<16xf32>,
        %add3A_488 = arith.addf %add3A_467, %gather3A_487 : vector<16xf32>
        %shift_right_arithmetic3A_489 = arith.constant 4 : i32
        %shift_right_arithmetic3A_490 = vector.broadcast %shift_right_arithmetic3A_489 : i32 to vector<16xi32>
        %shift_right_arithmetic3A_491 = arith.shrsi %bitcast3A_479, %shift_right_arithmetic3A_490 : vector<16xi32>
        %and3A_492 = arith.constant 4080 : i32
        %and3A_493 = vector.broadcast %and3A_492 : i32 to vector<16xi32>
        %and3A_494 = arith.andi %shift_right_arithmetic3A_491, %and3A_493 : vector<16xi32>
        %add3A_495 = arith.addi %and3A_494, %add3A_364 : vector<16xi32>
        %gather3A_496 = tpu.vector_load_idx %arg8[%add3A_495] : memref<2560xf32, #tpu.memory_space<vmem>>[vector<16xi32>], vector<16xf32>,
        %add3A_497 = arith.addf %add3A_488, %gather3A_496 : vector<16xf32>
        %shift_right_arithmetic3A_498 = arith.constant 12 : i32
        %shift_right_arithmetic3A_499 = vector.broadcast %shift_right_arithmetic3A_498 : i32 to vector<16xi32>
        %shift_right_arithmetic3A_500 = arith.shrsi %bitcast3A_479, %shift_right_arithmetic3A_499 : vector<16xi32>
        %and3A_501 = arith.constant 4080 : i32
        %and3A_502 = vector.broadcast %and3A_501 : i32 to vector<16xi32>
        %and3A_503 = arith.andi %shift_right_arithmetic3A_500, %and3A_502 : vector<16xi32>
        %add3A_504 = arith.addi %and3A_503, %add3A_364 : vector<16xi32>
        %gather3A_505 = tpu.vector_load_idx %arg8[%add3A_504] : memref<2560xf32, #tpu.memory_space<vmem>>[vector<16xi32>], vector<16xf32>,
        %add3A_506 = arith.addf %add3A_497, %gather3A_505 : vector<16xf32>
        %shift_right_arithmetic3A_507 = arith.constant 20 : i32
        %shift_right_arithmetic3A_508 = vector.broadcast %shift_right_arithmetic3A_507 : i32 to vector<16xi32>
        %shift_right_arithmetic3A_509 = arith.shrsi %bitcast3A_479, %shift_right_arithmetic3A_508 : vector<16xi32>
        %and3A_510 = arith.constant 4080 : i32
        %and3A_511 = vector.broadcast %and3A_510 : i32 to vector<16xi32>
        %and3A_512 = arith.andi %shift_right_arithmetic3A_509, %and3A_511 : vector<16xi32>
        %add3A_513 = arith.addi %and3A_512, %add3A_364 : vector<16xi32>
        %gather3A_514 = tpu.vector_load_idx %arg8[%add3A_513] : memref<2560xf32, #tpu.memory_space<vmem>>[vector<16xi32>], vector<16xf32>,
        %add3A_515 = arith.addf %add3A_506, %gather3A_514 : vector<16xf32>
        %scan3A_516 = arith.constant 3 : i32
        %scan3A_517 = arith.addi %scan3A_376, %scan3A_516 : i32
        %mul3A_518 = arith.constant 3 : i32
        %mul3A_519 = arith.muli %mul3A_518, %scan3A_340 : i32
        %add3A_520 = arith.constant 2 : i32
        %add3A_521 = arith.addi %mul3A_519, %add3A_520 : i32
        %mul3A_522 = arith.constant 64 : i32
        %mul3A_523 = arith.muli %scan3A_517, %mul3A_522 : i32
        %get3A_524 = arith.index_cast %add3A_521 : i32 to index
        %get3A_525 = arith.index_cast %mul3A_523 : i32 to index
        %get3A_526 = tpu.vector_load %arg6[%get3A_524, %get3A_525] {strides = array<i32>} : memref<48x1280xi8, #tpu.memory_space<vmem>>, vector<64xi8>,
        %bitcast3A_527 = vector.bitcast %get3A_526 : vector<64xi8> to vector<16xi32>
        %shift_left3A_528 = arith.constant 4 : i32
        %shift_left3A_529 = vector.broadcast %shift_left3A_528 : i32 to vector<16xi32>
        %shift_left3A_530 = arith.shli %bitcast3A_527, %shift_left3A_529 : vector<16xi32>
        %and3A_531 = arith.constant 4080 : i32
        %and3A_532 = vector.broadcast %and3A_531 : i32 to vector<16xi32>
        %and3A_533 = arith.andi %shift_left3A_530, %and3A_532 : vector<16xi32>
        %add3A_534 = arith.addi %and3A_533, %add3A_364 : vector<16xi32>
        %gather3A_535 = tpu.vector_load_idx %arg8[%add3A_534] : memref<2560xf32, #tpu.memory_space<vmem>>[vector<16xi32>], vector<16xf32>,
        %add3A_536 = arith.addf %add3A_515, %gather3A_535 : vector<16xf32>
        %shift_right_arithmetic3A_537 = arith.constant 4 : i32
        %shift_right_arithmetic3A_538 = vector.broadcast %shift_right_arithmetic3A_537 : i32 to vector<16xi32>
        %shift_right_arithmetic3A_539 = arith.shrsi %bitcast3A_527, %shift_right_arithmetic3A_538 : vector<16xi32>
        %and3A_540 = arith.constant 4080 : i32
        %and3A_541 = vector.broadcast %and3A_540 : i32 to vector<16xi32>
        %and3A_542 = arith.andi %shift_right_arithmetic3A_539, %and3A_541 : vector<16xi32>
        %add3A_543 = arith.addi %and3A_542, %add3A_364 : vector<16xi32>
        %gather3A_544 = tpu.vector_load_idx %arg8[%add3A_543] : memref<2560xf32, #tpu.memory_space<vmem>>[vector<16xi32>], vector<16xf32>,
        %add3A_545 = arith.addf %add3A_536, %gather3A_544 : vector<16xf32>
        %shift_right_arithmetic3A_546 = arith.constant 12 : i32
        %shift_right_arithmetic3A_547 = vector.broadcast %shift_right_arithmetic3A_546 : i32 to vector<16xi32>
        %shift_right_arithmetic3A_548 = arith.shrsi %bitcast3A_527, %shift_right_arithmetic3A_547 : vector<16xi32>
        %and3A_549 = arith.constant 4080 : i32
        %and3A_550 = vector.broadcast %and3A_549 : i32 to vector<16xi32>
        %and3A_551 = arith.andi %shift_right_arithmetic3A_548, %and3A_550 : vector<16xi32>
        %add3A_552 = arith.addi %and3A_551, %add3A_364 : vector<16xi32>
        %gather3A_553 = tpu.vector_load_idx %arg8[%add3A_552] : memref<2560xf32, #tpu.memory_space<vmem>>[vector<16xi32>], vector<16xf32>,
        %add3A_554 = arith.addf %add3A_545, %gather3A_553 : vector<16xf32>
        %shift_right_arithmetic3A_555 = arith.constant 20 : i32
        %shift_right_arithmetic3A_556 = vector.broadcast %shift_right_arithmetic3A_555 : i32 to vector<16xi32>
        %shift_right_arithmetic3A_557 = arith.shrsi %bitcast3A_527, %shift_right_arithmetic3A_556 : vector<16xi32>
        %and3A_558 = arith.constant 4080 : i32
        %and3A_559 = vector.broadcast %and3A_558 : i32 to vector<16xi32>
        %and3A_560 = arith.andi %shift_right_arithmetic3A_557, %and3A_559 : vector<16xi32>
        %add3A_561 = arith.addi %and3A_560, %add3A_364 : vector<16xi32>
        %gather3A_562 = tpu.vector_load_idx %arg8[%add3A_561] : memref<2560xf32, #tpu.memory_space<vmem>>[vector<16xi32>], vector<16xf32>,
        %add3A_563 = arith.addf %add3A_554, %gather3A_562 : vector<16xf32>
        scf.yield %add3A_563 : vector<16xf32>
      }
      %scan3A_370 = arith.constant 20 : i32
      %mul3A_371 = arith.constant 17 : i32
      %mul3A_372 = arith.muli %scan3A_340, %mul3A_371 : i32
      %add3A_373 = vector.broadcast %mul3A_372 : i32 to vector<16xi32>
      %add3A_374 = arith.addi %add3A_373, %iota3A : vector<16xi32>
      tpu.vector_store_idx %arg10[%add3A_374], %scan3A_369 : memref<272xf32, #tpu.memory_space<vmem>>[vector<16xi32>], vector<16xf32>,
      %scan3A_375 = arith.constant 0 : i32
      scf.yield %scan3A_375 : i32
    }
    %scan3A_39 = arith.constant 16 : i32
    %broadcast_in_dim3A = arith.constant 0.000000e+00 : f32
    %broadcast_in_dim3A_40 = vector.broadcast %broadcast_in_dim3A : f32 to vector<16xf32>
    %mul3A_41 = arith.constant 17 : i32
    %mul3A_42 = vector.broadcast %mul3A_41 : i32 to vector<16xi32>
    %mul3A_43 = arith.muli %iota3A, %mul3A_42 : vector<16xi32>
    %add3A_44 = arith.constant 0 : i32
    %add3A_45 = vector.broadcast %add3A_44 : i32 to vector<16xi32>
    %add3A_46 = arith.addi %mul3A_43, %add3A_45 : vector<16xi32>
    %gather3A = tpu.vector_load_idx %arg10[%add3A_46] : memref<272xf32, #tpu.memory_space<vmem>>[vector<16xi32>], vector<16xf32>,
    %add3A_47 = arith.addf %broadcast_in_dim3A_40, %gather3A : vector<16xf32>
    %mul3A_48 = arith.constant 17 : i32
    %mul3A_49 = vector.broadcast %mul3A_48 : i32 to vector<16xi32>
    %mul3A_50 = arith.muli %iota3A, %mul3A_49 : vector<16xi32>
    %add3A_51 = arith.constant 1 : i32
    %add3A_52 = vector.broadcast %add3A_51 : i32 to vector<16xi32>
    %add3A_53 = arith.addi %mul3A_50, %add3A_52 : vector<16xi32>
    %gather3A_54 = tpu.vector_load_idx %arg10[%add3A_53] : memref<272xf32, #tpu.memory_space<vmem>>[vector<16xi32>], vector<16xf32>,
    %add3A_55 = arith.addf %add3A_47, %gather3A_54 : vector<16xf32>
    %mul3A_56 = arith.constant 17 : i32
    %mul3A_57 = vector.broadcast %mul3A_56 : i32 to vector<16xi32>
    %mul3A_58 = arith.muli %iota3A, %mul3A_57 : vector<16xi32>
    %add3A_59 = arith.constant 2 : i32
    %add3A_60 = vector.broadcast %add3A_59 : i32 to vector<16xi32>
    %add3A_61 = arith.addi %mul3A_58, %add3A_60 : vector<16xi32>
    %gather3A_62 = tpu.vector_load_idx %arg10[%add3A_61] : memref<272xf32, #tpu.memory_space<vmem>>[vector<16xi32>], vector<16xf32>,
    %add3A_63 = arith.addf %add3A_55, %gather3A_62 : vector<16xf32>
    %mul3A_64 = arith.constant 17 : i32
    %mul3A_65 = vector.broadcast %mul3A_64 : i32 to vector<16xi32>
    %mul3A_66 = arith.muli %iota3A, %mul3A_65 : vector<16xi32>
    %add3A_67 = arith.constant 3 : i32
    %add3A_68 = vector.broadcast %add3A_67 : i32 to vector<16xi32>
    %add3A_69 = arith.addi %mul3A_66, %add3A_68 : vector<16xi32>
    %gather3A_70 = tpu.vector_load_idx %arg10[%add3A_69] : memref<272xf32, #tpu.memory_space<vmem>>[vector<16xi32>], vector<16xf32>,
    %add3A_71 = arith.addf %add3A_63, %gather3A_70 : vector<16xf32>
    %mul3A_72 = arith.constant 17 : i32
    %mul3A_73 = vector.broadcast %mul3A_72 : i32 to vector<16xi32>
    %mul3A_74 = arith.muli %iota3A, %mul3A_73 : vector<16xi32>
    %add3A_75 = arith.constant 4 : i32
    %add3A_76 = vector.broadcast %add3A_75 : i32 to vector<16xi32>
    %add3A_77 = arith.addi %mul3A_74, %add3A_76 : vector<16xi32>
    %gather3A_78 = tpu.vector_load_idx %arg10[%add3A_77] : memref<272xf32, #tpu.memory_space<vmem>>[vector<16xi32>], vector<16xf32>,
    %add3A_79 = arith.addf %add3A_71, %gather3A_78 : vector<16xf32>
    %mul3A_80 = arith.constant 17 : i32
    %mul3A_81 = vector.broadcast %mul3A_80 : i32 to vector<16xi32>
    %mul3A_82 = arith.muli %iota3A, %mul3A_81 : vector<16xi32>
    %add3A_83 = arith.constant 5 : i32
    %add3A_84 = vector.broadcast %add3A_83 : i32 to vector<16xi32>
    %add3A_85 = arith.addi %mul3A_82, %add3A_84 : vector<16xi32>
    %gather3A_86 = tpu.vector_load_idx %arg10[%add3A_85] : memref<272xf32, #tpu.memory_space<vmem>>[vector<16xi32>], vector<16xf32>,
    %add3A_87 = arith.addf %add3A_79, %gather3A_86 : vector<16xf32>
    %mul3A_88 = arith.constant 17 : i32
    %mul3A_89 = vector.broadcast %mul3A_88 : i32 to vector<16xi32>
    %mul3A_90 = arith.muli %iota3A, %mul3A_89 : vector<16xi32>
    %add3A_91 = arith.constant 6 : i32
    %add3A_92 = vector.broadcast %add3A_91 : i32 to vector<16xi32>
    %add3A_93 = arith.addi %mul3A_90, %add3A_92 : vector<16xi32>
    %gather3A_94 = tpu.vector_load_idx %arg10[%add3A_93] : memref<272xf32, #tpu.memory_space<vmem>>[vector<16xi32>], vector<16xf32>,
    %add3A_95 = arith.addf %add3A_87, %gather3A_94 : vector<16xf32>
    %mul3A_96 = arith.constant 17 : i32
    %mul3A_97 = vector.broadcast %mul3A_96 : i32 to vector<16xi32>
    %mul3A_98 = arith.muli %iota3A, %mul3A_97 : vector<16xi32>
    %add3A_99 = arith.constant 7 : i32
    %add3A_100 = vector.broadcast %add3A_99 : i32 to vector<16xi32>
    %add3A_101 = arith.addi %mul3A_98, %add3A_100 : vector<16xi32>
    %gather3A_102 = tpu.vector_load_idx %arg10[%add3A_101] : memref<272xf32, #tpu.memory_space<vmem>>[vector<16xi32>], vector<16xf32>,
    %add3A_103 = arith.addf %add3A_95, %gather3A_102 : vector<16xf32>
    %mul3A_104 = arith.constant 17 : i32
    %mul3A_105 = vector.broadcast %mul3A_104 : i32 to vector<16xi32>
    %mul3A_106 = arith.muli %iota3A, %mul3A_105 : vector<16xi32>
    %add3A_107 = arith.constant 8 : i32
    %add3A_108 = vector.broadcast %add3A_107 : i32 to vector<16xi32>
    %add3A_109 = arith.addi %mul3A_106, %add3A_108 : vector<16xi32>
    %gather3A_110 = tpu.vector_load_idx %arg10[%add3A_109] : memref<272xf32, #tpu.memory_space<vmem>>[vector<16xi32>], vector<16xf32>,
    %add3A_111 = arith.addf %add3A_103, %gather3A_110 : vector<16xf32>
    %mul3A_112 = arith.constant 17 : i32
    %mul3A_113 = vector.broadcast %mul3A_112 : i32 to vector<16xi32>
    %mul3A_114 = arith.muli %iota3A, %mul3A_113 : vector<16xi32>
    %add3A_115 = arith.constant 9 : i32
    %add3A_116 = vector.broadcast %add3A_115 : i32 to vector<16xi32>
    %add3A_117 = arith.addi %mul3A_114, %add3A_116 : vector<16xi32>
    %gather3A_118 = tpu.vector_load_idx %arg10[%add3A_117] : memref<272xf32, #tpu.memory_space<vmem>>[vector<16xi32>], vector<16xf32>,
    %add3A_119 = arith.addf %add3A_111, %gather3A_118 : vector<16xf32>
    %mul3A_120 = arith.constant 17 : i32
    %mul3A_121 = vector.broadcast %mul3A_120 : i32 to vector<16xi32>
    %mul3A_122 = arith.muli %iota3A, %mul3A_121 : vector<16xi32>
    %add3A_123 = arith.constant 10 : i32
    %add3A_124 = vector.broadcast %add3A_123 : i32 to vector<16xi32>
    %add3A_125 = arith.addi %mul3A_122, %add3A_124 : vector<16xi32>
    %gather3A_126 = tpu.vector_load_idx %arg10[%add3A_125] : memref<272xf32, #tpu.memory_space<vmem>>[vector<16xi32>], vector<16xf32>,
    %add3A_127 = arith.addf %add3A_119, %gather3A_126 : vector<16xf32>
    %mul3A_128 = arith.constant 17 : i32
    %mul3A_129 = vector.broadcast %mul3A_128 : i32 to vector<16xi32>
    %mul3A_130 = arith.muli %iota3A, %mul3A_129 : vector<16xi32>
    %add3A_131 = arith.constant 11 : i32
    %add3A_132 = vector.broadcast %add3A_131 : i32 to vector<16xi32>
    %add3A_133 = arith.addi %mul3A_130, %add3A_132 : vector<16xi32>
    %gather3A_134 = tpu.vector_load_idx %arg10[%add3A_133] : memref<272xf32, #tpu.memory_space<vmem>>[vector<16xi32>], vector<16xf32>,
    %add3A_135 = arith.addf %add3A_127, %gather3A_134 : vector<16xf32>
    %mul3A_136 = arith.constant 17 : i32
    %mul3A_137 = vector.broadcast %mul3A_136 : i32 to vector<16xi32>
    %mul3A_138 = arith.muli %iota3A, %mul3A_137 : vector<16xi32>
    %add3A_139 = arith.constant 12 : i32
    %add3A_140 = vector.broadcast %add3A_139 : i32 to vector<16xi32>
    %add3A_141 = arith.addi %mul3A_138, %add3A_140 : vector<16xi32>
    %gather3A_142 = tpu.vector_load_idx %arg10[%add3A_141] : memref<272xf32, #tpu.memory_space<vmem>>[vector<16xi32>], vector<16xf32>,
    %add3A_143 = arith.addf %add3A_135, %gather3A_142 : vector<16xf32>
    %mul3A_144 = arith.constant 17 : i32
    %mul3A_145 = vector.broadcast %mul3A_144 : i32 to vector<16xi32>
    %mul3A_146 = arith.muli %iota3A, %mul3A_145 : vector<16xi32>
    %add3A_147 = arith.constant 13 : i32
    %add3A_148 = vector.broadcast %add3A_147 : i32 to vector<16xi32>
    %add3A_149 = arith.addi %mul3A_146, %add3A_148 : vector<16xi32>
    %gather3A_150 = tpu.vector_load_idx %arg10[%add3A_149] : memref<272xf32, #tpu.memory_space<vmem>>[vector<16xi32>], vector<16xf32>,
    %add3A_151 = arith.addf %add3A_143, %gather3A_150 : vector<16xf32>
    %mul3A_152 = arith.constant 17 : i32
    %mul3A_153 = vector.broadcast %mul3A_152 : i32 to vector<16xi32>
    %mul3A_154 = arith.muli %iota3A, %mul3A_153 : vector<16xi32>
    %add3A_155 = arith.constant 14 : i32
    %add3A_156 = vector.broadcast %add3A_155 : i32 to vector<16xi32>
    %add3A_157 = arith.addi %mul3A_154, %add3A_156 : vector<16xi32>
    %gather3A_158 = tpu.vector_load_idx %arg10[%add3A_157] : memref<272xf32, #tpu.memory_space<vmem>>[vector<16xi32>], vector<16xf32>,
    %add3A_159 = arith.addf %add3A_151, %gather3A_158 : vector<16xf32>
    %mul3A_160 = arith.constant 17 : i32
    %mul3A_161 = vector.broadcast %mul3A_160 : i32 to vector<16xi32>
    %mul3A_162 = arith.muli %iota3A, %mul3A_161 : vector<16xi32>
    %add3A_163 = arith.constant 15 : i32
    %add3A_164 = vector.broadcast %add3A_163 : i32 to vector<16xi32>
    %add3A_165 = arith.addi %mul3A_162, %add3A_164 : vector<16xi32>
    %gather3A_166 = tpu.vector_load_idx %arg10[%add3A_165] : memref<272xf32, #tpu.memory_space<vmem>>[vector<16xi32>], vector<16xf32>,
    %add3A_167 = arith.addf %add3A_159, %gather3A_166 : vector<16xf32>
    %div3A = arith.constant 1.000000e+01 : f32
    %div3A_168 = vector.broadcast %div3A : f32 to vector<16xf32>
    %div3A_169 = arith.divf %add3A_167, %div3A_168 : vector<16xf32>
    %add3A_170 = arith.addf %div3A_169, %get3A_30 : vector<16xf32>
    %add3A_171 = arith.constant 0 : i32
    %add3A_172 = vector.broadcast %add3A_171 : i32 to vector<16xi32>
    %add3A_173 = arith.addi %add3A_172, %iota3A : vector<16xi32>
    %broadcast_in_dim3A_174 = arith.constant 0 : i32
    %broadcast_in_dim3A_175 = vector.broadcast %broadcast_in_dim3A_174 : i32 to vector<16xi32>
    %mul3A_176 = arith.mulf %add3A_170, %get3A_14 : vector<16xf32>
    %add3A_177 = arith.addf %mul3A_176, %get3A_22 : vector<16xf32>
    tpu.vector_store_idx %arg11[%add3A_173, %broadcast_in_dim3A_175], %add3A_177 : memref<32x2xf32, #tpu.memory_space<vmem>>[vector<16xi32>, vector<16xi32>], vector<16xf32>,
    %broadcast_in_dim3A_178 = arith.constant 1 : i32
    %broadcast_in_dim3A_179 = vector.broadcast %broadcast_in_dim3A_178 : i32 to vector<16xi32>
    %mul3A_180 = arith.mulf %add3A_170, %get3A_18 : vector<16xf32>
    %add3A_181 = arith.addf %mul3A_180, %get3A_26 : vector<16xf32>
    tpu.vector_store_idx %arg11[%add3A_173, %broadcast_in_dim3A_179], %add3A_181 : memref<32x2xf32, #tpu.memory_space<vmem>>[vector<16xi32>, vector<16xi32>], vector<16xf32>,
    %dma_wait3A_182 = arith.constant 0 : i32
    %dma_wait3A_183 = tpu.memref_slice %arg2[%add3A_7, %dma_wait3A_182] : memref<3072x1280xi8, #tpu.memory_space<hbm>> -> memref<48x1280xi8, #tpu.memory_space<hbm>>
    %dma_wait3A_184 = arith.constant 0 : i32
    %dma_wait3A_185 = tpu.memref_slice %arg2[%add3A_7, %dma_wait3A_184] : memref<3072x1280xi8, #tpu.memory_space<hbm>> -> memref<48x1280xi8, #tpu.memory_space<hbm>>
    tpu.wait_dma2 semaphore(%arg13 : memref<!tpu.dma_semaphore, #tpu.memory_space<semaphore_mem>>) src(%dma_wait3A_185 : memref<48x1280xi8, #tpu.memory_space<hbm>>) dst(%arg7 : memref<48x1280xi8, #tpu.memory_space<vmem>>)
    %scan3A_186 = arith.constant 0 : i32
    %scan3A_187 = arith.constant 0 : i32
    %scan3A_188 = arith.constant 16 : i32
    %scan3A_189 = arith.addi %scan3A_187, %scan3A_188 : i32
    %scan3A_190 = arith.constant 1 : i32
    %scan3A_191 = scf.for %scan3A_340 = %scan3A_187 to %scan3A_189 step %scan3A_190 iter_args(%scan3A_341 = %scan3A_186) -> (i32)  : i32 {
      %broadcast_in_dim3A_342 = arith.constant 0.000000e+00 : f32
      %broadcast_in_dim3A_343 = vector.broadcast %broadcast_in_dim3A_342 : f32 to vector<16xf32>
      %add3A_344 = arith.constant 0 : i32
      %add3A_345 = vector.broadcast %add3A_344 : i32 to vector<16xi32>
      %add3A_346 = arith.addi %add3A_345, %iota3A : vector<16xi32>
      %scan3A_347 = arith.constant 0 : i32
      %scan3A_348 = arith.constant 20 : i32
      %scan3A_349 = arith.addi %scan3A_347, %scan3A_348 : i32
      %scan3A_350 = arith.constant 4 : i32
      %scan3A_351 = scf.for %scan3A_376 = %scan3A_347 to %scan3A_349 step %scan3A_350 iter_args(%scan3A_377 = %broadcast_in_dim3A_343) -> (vector<16xf32>)  : i32 {
        %mul3A_378 = arith.constant 3 : i32
        %mul3A_379 = arith.muli %mul3A_378, %scan3A_340 : i32
        %add3A_380 = arith.constant 0 : i32
        %add3A_381 = arith.addi %mul3A_379, %add3A_380 : i32
        %mul3A_382 = arith.constant 64 : i32
        %mul3A_383 = arith.muli %scan3A_376, %mul3A_382 : i32
        %get3A_384 = arith.index_cast %add3A_381 : i32 to index
        %get3A_385 = arith.index_cast %mul3A_383 : i32 to index
        %get3A_386 = tpu.vector_load %arg7[%get3A_384, %get3A_385] {strides = array<i32>} : memref<48x1280xi8, #tpu.memory_space<vmem>>, vector<64xi8>,
        %bitcast3A = vector.bitcast %get3A_386 : vector<64xi8> to vector<16xi32>
        %shift_left3A = arith.constant 4 : i32
        %shift_left3A_387 = vector.broadcast %shift_left3A : i32 to vector<16xi32>
        %shift_left3A_388 = arith.shli %bitcast3A, %shift_left3A_387 : vector<16xi32>
        %and3A = arith.constant 4080 : i32
        %and3A_389 = vector.broadcast %and3A : i32 to vector<16xi32>
        %and3A_390 = arith.andi %shift_left3A_388, %and3A_389 : vector<16xi32>
        %add3A_391 = arith.addi %and3A_390, %add3A_346 : vector<16xi32>
        %gather3A_392 = tpu.vector_load_idx %arg8[%add3A_391] : memref<2560xf32, #tpu.memory_space<vmem>>[vector<16xi32>], vector<16xf32>,
        %add3A_393 = arith.addf %scan3A_377, %gather3A_392 : vector<16xf32>
        %shift_right_arithmetic3A = arith.constant 4 : i32
        %shift_right_arithmetic3A_394 = vector.broadcast %shift_right_arithmetic3A : i32 to vector<16xi32>
        %shift_right_arithmetic3A_395 = arith.shrsi %bitcast3A, %shift_right_arithmetic3A_394 : vector<16xi32>
        %and3A_396 = arith.constant 4080 : i32
        %and3A_397 = vector.broadcast %and3A_396 : i32 to vector<16xi32>
        %and3A_398 = arith.andi %shift_right_arithmetic3A_395, %and3A_397 : vector<16xi32>
        %add3A_399 = arith.addi %and3A_398, %add3A_346 : vector<16xi32>
        %gather3A_400 = tpu.vector_load_idx %arg8[%add3A_399] : memref<2560xf32, #tpu.memory_space<vmem>>[vector<16xi32>], vector<16xf32>,
        %add3A_401 = arith.addf %add3A_393, %gather3A_400 : vector<16xf32>
        %shift_right_arithmetic3A_402 = arith.constant 12 : i32
        %shift_right_arithmetic3A_403 = vector.broadcast %shift_right_arithmetic3A_402 : i32 to vector<16xi32>
        %shift_right_arithmetic3A_404 = arith.shrsi %bitcast3A, %shift_right_arithmetic3A_403 : vector<16xi32>
        %and3A_405 = arith.constant 4080 : i32
        %and3A_406 = vector.broadcast %and3A_405 : i32 to vector<16xi32>
        %and3A_407 = arith.andi %shift_right_arithmetic3A_404, %and3A_406 : vector<16xi32>
        %add3A_408 = arith.addi %and3A_407, %add3A_346 : vector<16xi32>
        %gather3A_409 = tpu.vector_load_idx %arg8[%add3A_408] : memref<2560xf32, #tpu.memory_space<vmem>>[vector<16xi32>], vector<16xf32>,
        %add3A_410 = arith.addf %add3A_401, %gather3A_409 : vector<16xf32>
        %shift_right_arithmetic3A_411 = arith.constant 20 : i32
        %shift_right_arithmetic3A_412 = vector.broadcast %shift_right_arithmetic3A_411 : i32 to vector<16xi32>
        %shift_right_arithmetic3A_413 = arith.shrsi %bitcast3A, %shift_right_arithmetic3A_412 : vector<16xi32>
        %and3A_414 = arith.constant 4080 : i32
        %and3A_415 = vector.broadcast %and3A_414 : i32 to vector<16xi32>
        %and3A_416 = arith.andi %shift_right_arithmetic3A_413, %and3A_415 : vector<16xi32>
        %add3A_417 = arith.addi %and3A_416, %add3A_346 : vector<16xi32>
        %gather3A_418 = tpu.vector_load_idx %arg8[%add3A_417] : memref<2560xf32, #tpu.memory_space<vmem>>[vector<16xi32>], vector<16xf32>,
        %add3A_419 = arith.addf %add3A_410, %gather3A_418 : vector<16xf32>
        %scan3A_420 = arith.constant 1 : i32
        %scan3A_421 = arith.addi %scan3A_376, %scan3A_420 : i32
        %mul3A_422 = arith.constant 3 : i32
        %mul3A_423 = arith.muli %mul3A_422, %scan3A_340 : i32
        %add3A_424 = arith.constant 0 : i32
        %add3A_425 = arith.addi %mul3A_423, %add3A_424 : i32
        %mul3A_426 = arith.constant 64 : i32
        %mul3A_427 = arith.muli %scan3A_421, %mul3A_426 : i32
        %get3A_428 = arith.index_cast %add3A_425 : i32 to index
        %get3A_429 = arith.index_cast %mul3A_427 : i32 to index
        %get3A_430 = tpu.vector_load %arg7[%get3A_428, %get3A_429] {strides = array<i32>} : memref<48x1280xi8, #tpu.memory_space<vmem>>, vector<64xi8>,
        %bitcast3A_431 = vector.bitcast %get3A_430 : vector<64xi8> to vector<16xi32>
        %shift_left3A_432 = arith.constant 4 : i32
        %shift_left3A_433 = vector.broadcast %shift_left3A_432 : i32 to vector<16xi32>
        %shift_left3A_434 = arith.shli %bitcast3A_431, %shift_left3A_433 : vector<16xi32>
        %and3A_435 = arith.constant 4080 : i32
        %and3A_436 = vector.broadcast %and3A_435 : i32 to vector<16xi32>
        %and3A_437 = arith.andi %shift_left3A_434, %and3A_436 : vector<16xi32>
        %add3A_438 = arith.addi %and3A_437, %add3A_346 : vector<16xi32>
        %gather3A_439 = tpu.vector_load_idx %arg8[%add3A_438] : memref<2560xf32, #tpu.memory_space<vmem>>[vector<16xi32>], vector<16xf32>,
        %add3A_440 = arith.addf %add3A_419, %gather3A_439 : vector<16xf32>
        %shift_right_arithmetic3A_441 = arith.constant 4 : i32
        %shift_right_arithmetic3A_442 = vector.broadcast %shift_right_arithmetic3A_441 : i32 to vector<16xi32>
        %shift_right_arithmetic3A_443 = arith.shrsi %bitcast3A_431, %shift_right_arithmetic3A_442 : vector<16xi32>
        %and3A_444 = arith.constant 4080 : i32
        %and3A_445 = vector.broadcast %and3A_444 : i32 to vector<16xi32>
        %and3A_446 = arith.andi %shift_right_arithmetic3A_443, %and3A_445 : vector<16xi32>
        %add3A_447 = arith.addi %and3A_446, %add3A_346 : vector<16xi32>
        %gather3A_448 = tpu.vector_load_idx %arg8[%add3A_447] : memref<2560xf32, #tpu.memory_space<vmem>>[vector<16xi32>], vector<16xf32>,
        %add3A_449 = arith.addf %add3A_440, %gather3A_448 : vector<16xf32>
        %shift_right_arithmetic3A_450 = arith.constant 12 : i32
        %shift_right_arithmetic3A_451 = vector.broadcast %shift_right_arithmetic3A_450 : i32 to vector<16xi32>
        %shift_right_arithmetic3A_452 = arith.shrsi %bitcast3A_431, %shift_right_arithmetic3A_451 : vector<16xi32>
        %and3A_453 = arith.constant 4080 : i32
        %and3A_454 = vector.broadcast %and3A_453 : i32 to vector<16xi32>
        %and3A_455 = arith.andi %shift_right_arithmetic3A_452, %and3A_454 : vector<16xi32>
        %add3A_456 = arith.addi %and3A_455, %add3A_346 : vector<16xi32>
        %gather3A_457 = tpu.vector_load_idx %arg8[%add3A_456] : memref<2560xf32, #tpu.memory_space<vmem>>[vector<16xi32>], vector<16xf32>,
        %add3A_458 = arith.addf %add3A_449, %gather3A_457 : vector<16xf32>
        %shift_right_arithmetic3A_459 = arith.constant 20 : i32
        %shift_right_arithmetic3A_460 = vector.broadcast %shift_right_arithmetic3A_459 : i32 to vector<16xi32>
        %shift_right_arithmetic3A_461 = arith.shrsi %bitcast3A_431, %shift_right_arithmetic3A_460 : vector<16xi32>
        %and3A_462 = arith.constant 4080 : i32
        %and3A_463 = vector.broadcast %and3A_462 : i32 to vector<16xi32>
        %and3A_464 = arith.andi %shift_right_arithmetic3A_461, %and3A_463 : vector<16xi32>
        %add3A_465 = arith.addi %and3A_464, %add3A_346 : vector<16xi32>
        %gather3A_466 = tpu.vector_load_idx %arg8[%add3A_465] : memref<2560xf32, #tpu.memory_space<vmem>>[vector<16xi32>], vector<16xf32>,
        %add3A_467 = arith.addf %add3A_458, %gather3A_466 : vector<16xf32>
        %scan3A_468 = arith.constant 2 : i32
        %scan3A_469 = arith.addi %scan3A_376, %scan3A_468 : i32
        %mul3A_470 = arith.constant 3 : i32
        %mul3A_471 = arith.muli %mul3A_470, %scan3A_340 : i32
        %add3A_472 = arith.constant 0 : i32
        %add3A_473 = arith.addi %mul3A_471, %add3A_472 : i32
        %mul3A_474 = arith.constant 64 : i32
        %mul3A_475 = arith.muli %scan3A_469, %mul3A_474 : i32
        %get3A_476 = arith.index_cast %add3A_473 : i32 to index
        %get3A_477 = arith.index_cast %mul3A_475 : i32 to index
        %get3A_478 = tpu.vector_load %arg7[%get3A_476, %get3A_477] {strides = array<i32>} : memref<48x1280xi8, #tpu.memory_space<vmem>>, vector<64xi8>,
        %bitcast3A_479 = vector.bitcast %get3A_478 : vector<64xi8> to vector<16xi32>
        %shift_left3A_480 = arith.constant 4 : i32
        %shift_left3A_481 = vector.broadcast %shift_left3A_480 : i32 to vector<16xi32>
        %shift_left3A_482 = arith.shli %bitcast3A_479, %shift_left3A_481 : vector<16xi32>
        %and3A_483 = arith.constant 4080 : i32
        %and3A_484 = vector.broadcast %and3A_483 : i32 to vector<16xi32>
        %and3A_485 = arith.andi %shift_left3A_482, %and3A_484 : vector<16xi32>
        %add3A_486 = arith.addi %and3A_485, %add3A_346 : vector<16xi32>
        %gather3A_487 = tpu.vector_load_idx %arg8[%add3A_486] : memref<2560xf32, #tpu.memory_space<vmem>>[vector<16xi32>], vector<16xf32>,
        %add3A_488 = arith.addf %add3A_467, %gather3A_487 : vector<16xf32>
        %shift_right_arithmetic3A_489 = arith.constant 4 : i32
        %shift_right_arithmetic3A_490 = vector.broadcast %shift_right_arithmetic3A_489 : i32 to vector<16xi32>
        %shift_right_arithmetic3A_491 = arith.shrsi %bitcast3A_479, %shift_right_arithmetic3A_490 : vector<16xi32>
        %and3A_492 = arith.constant 4080 : i32
        %and3A_493 = vector.broadcast %and3A_492 : i32 to vector<16xi32>
        %and3A_494 = arith.andi %shift_right_arithmetic3A_491, %and3A_493 : vector<16xi32>
        %add3A_495 = arith.addi %and3A_494, %add3A_346 : vector<16xi32>
        %gather3A_496 = tpu.vector_load_idx %arg8[%add3A_495] : memref<2560xf32, #tpu.memory_space<vmem>>[vector<16xi32>], vector<16xf32>,
        %add3A_497 = arith.addf %add3A_488, %gather3A_496 : vector<16xf32>
        %shift_right_arithmetic3A_498 = arith.constant 12 : i32
        %shift_right_arithmetic3A_499 = vector.broadcast %shift_right_arithmetic3A_498 : i32 to vector<16xi32>
        %shift_right_arithmetic3A_500 = arith.shrsi %bitcast3A_479, %shift_right_arithmetic3A_499 : vector<16xi32>
        %and3A_501 = arith.constant 4080 : i32
        %and3A_502 = vector.broadcast %and3A_501 : i32 to vector<16xi32>
        %and3A_503 = arith.andi %shift_right_arithmetic3A_500, %and3A_502 : vector<16xi32>
        %add3A_504 = arith.addi %and3A_503, %add3A_346 : vector<16xi32>
        %gather3A_505 = tpu.vector_load_idx %arg8[%add3A_504] : memref<2560xf32, #tpu.memory_space<vmem>>[vector<16xi32>], vector<16xf32>,
        %add3A_506 = arith.addf %add3A_497, %gather3A_505 : vector<16xf32>
        %shift_right_arithmetic3A_507 = arith.constant 20 : i32
        %shift_right_arithmetic3A_508 = vector.broadcast %shift_right_arithmetic3A_507 : i32 to vector<16xi32>
        %shift_right_arithmetic3A_509 = arith.shrsi %bitcast3A_479, %shift_right_arithmetic3A_508 : vector<16xi32>
        %and3A_510 = arith.constant 4080 : i32
        %and3A_511 = vector.broadcast %and3A_510 : i32 to vector<16xi32>
        %and3A_512 = arith.andi %shift_right_arithmetic3A_509, %and3A_511 : vector<16xi32>
        %add3A_513 = arith.addi %and3A_512, %add3A_346 : vector<16xi32>
        %gather3A_514 = tpu.vector_load_idx %arg8[%add3A_513] : memref<2560xf32, #tpu.memory_space<vmem>>[vector<16xi32>], vector<16xf32>,
        %add3A_515 = arith.addf %add3A_506, %gather3A_514 : vector<16xf32>
        %scan3A_516 = arith.constant 3 : i32
        %scan3A_517 = arith.addi %scan3A_376, %scan3A_516 : i32
        %mul3A_518 = arith.constant 3 : i32
        %mul3A_519 = arith.muli %mul3A_518, %scan3A_340 : i32
        %add3A_520 = arith.constant 0 : i32
        %add3A_521 = arith.addi %mul3A_519, %add3A_520 : i32
        %mul3A_522 = arith.constant 64 : i32
        %mul3A_523 = arith.muli %scan3A_517, %mul3A_522 : i32
        %get3A_524 = arith.index_cast %add3A_521 : i32 to index
        %get3A_525 = arith.index_cast %mul3A_523 : i32 to index
        %get3A_526 = tpu.vector_load %arg7[%get3A_524, %get3A_525] {strides = array<i32>} : memref<48x1280xi8, #tpu.memory_space<vmem>>, vector<64xi8>,
        %bitcast3A_527 = vector.bitcast %get3A_526 : vector<64xi8> to vector<16xi32>
        %shift_left3A_528 = arith.constant 4 : i32
        %shift_left3A_529 = vector.broadcast %shift_left3A_528 : i32 to vector<16xi32>
        %shift_left3A_530 = arith.shli %bitcast3A_527, %shift_left3A_529 : vector<16xi32>
        %and3A_531 = arith.constant 4080 : i32
        %and3A_532 = vector.broadcast %and3A_531 : i32 to vector<16xi32>
        %and3A_533 = arith.andi %shift_left3A_530, %and3A_532 : vector<16xi32>
        %add3A_534 = arith.addi %and3A_533, %add3A_346 : vector<16xi32>
        %gather3A_535 = tpu.vector_load_idx %arg8[%add3A_534] : memref<2560xf32, #tpu.memory_space<vmem>>[vector<16xi32>], vector<16xf32>,
        %add3A_536 = arith.addf %add3A_515, %gather3A_535 : vector<16xf32>
        %shift_right_arithmetic3A_537 = arith.constant 4 : i32
        %shift_right_arithmetic3A_538 = vector.broadcast %shift_right_arithmetic3A_537 : i32 to vector<16xi32>
        %shift_right_arithmetic3A_539 = arith.shrsi %bitcast3A_527, %shift_right_arithmetic3A_538 : vector<16xi32>
        %and3A_540 = arith.constant 4080 : i32
        %and3A_541 = vector.broadcast %and3A_540 : i32 to vector<16xi32>
        %and3A_542 = arith.andi %shift_right_arithmetic3A_539, %and3A_541 : vector<16xi32>
        %add3A_543 = arith.addi %and3A_542, %add3A_346 : vector<16xi32>
        %gather3A_544 = tpu.vector_load_idx %arg8[%add3A_543] : memref<2560xf32, #tpu.memory_space<vmem>>[vector<16xi32>], vector<16xf32>,
        %add3A_545 = arith.addf %add3A_536, %gather3A_544 : vector<16xf32>
        %shift_right_arithmetic3A_546 = arith.constant 12 : i32
        %shift_right_arithmetic3A_547 = vector.broadcast %shift_right_arithmetic3A_546 : i32 to vector<16xi32>
        %shift_right_arithmetic3A_548 = arith.shrsi %bitcast3A_527, %shift_right_arithmetic3A_547 : vector<16xi32>
        %and3A_549 = arith.constant 4080 : i32
        %and3A_550 = vector.broadcast %and3A_549 : i32 to vector<16xi32>
        %and3A_551 = arith.andi %shift_right_arithmetic3A_548, %and3A_550 : vector<16xi32>
        %add3A_552 = arith.addi %and3A_551, %add3A_346 : vector<16xi32>
        %gather3A_553 = tpu.vector_load_idx %arg8[%add3A_552] : memref<2560xf32, #tpu.memory_space<vmem>>[vector<16xi32>], vector<16xf32>,
        %add3A_554 = arith.addf %add3A_545, %gather3A_553 : vector<16xf32>
        %shift_right_arithmetic3A_555 = arith.constant 20 : i32
        %shift_right_arithmetic3A_556 = vector.broadcast %shift_right_arithmetic3A_555 : i32 to vector<16xi32>
        %shift_right_arithmetic3A_557 = arith.shrsi %bitcast3A_527, %shift_right_arithmetic3A_556 : vector<16xi32>
        %and3A_558 = arith.constant 4080 : i32
        %and3A_559 = vector.broadcast %and3A_558 : i32 to vector<16xi32>
        %and3A_560 = arith.andi %shift_right_arithmetic3A_557, %and3A_559 : vector<16xi32>
        %add3A_561 = arith.addi %and3A_560, %add3A_346 : vector<16xi32>
        %gather3A_562 = tpu.vector_load_idx %arg8[%add3A_561] : memref<2560xf32, #tpu.memory_space<vmem>>[vector<16xi32>], vector<16xf32>,
        %add3A_563 = arith.addf %add3A_554, %gather3A_562 : vector<16xf32>
        scf.yield %add3A_563 : vector<16xf32>
      }
      %scan3A_352 = arith.constant 20 : i32
      %add3A_353 = arith.constant 800 : i32
      %add3A_354 = vector.broadcast %add3A_353 : i32 to vector<16xi32>
      %add3A_355 = arith.addi %add3A_354, %iota3A : vector<16xi32>
      %scan3A_356 = arith.constant 0 : i32
      %scan3A_357 = arith.constant 20 : i32
      %scan3A_358 = arith.addi %scan3A_356, %scan3A_357 : i32
      %scan3A_359 = arith.constant 4 : i32
      %scan3A_360 = scf.for %scan3A_376 = %scan3A_356 to %scan3A_358 step %scan3A_359 iter_args(%scan3A_377 = %scan3A_351) -> (vector<16xf32>)  : i32 {
        %mul3A_378 = arith.constant 3 : i32
        %mul3A_379 = arith.muli %mul3A_378, %scan3A_340 : i32
        %add3A_380 = arith.constant 1 : i32
        %add3A_381 = arith.addi %mul3A_379, %add3A_380 : i32
        %mul3A_382 = arith.constant 64 : i32
        %mul3A_383 = arith.muli %scan3A_376, %mul3A_382 : i32
        %get3A_384 = arith.index_cast %add3A_381 : i32 to index
        %get3A_385 = arith.index_cast %mul3A_383 : i32 to index
        %get3A_386 = tpu.vector_load %arg7[%get3A_384, %get3A_385] {strides = array<i32>} : memref<48x1280xi8, #tpu.memory_space<vmem>>, vector<64xi8>,
        %bitcast3A = vector.bitcast %get3A_386 : vector<64xi8> to vector<16xi32>
        %shift_left3A = arith.constant 4 : i32
        %shift_left3A_387 = vector.broadcast %shift_left3A : i32 to vector<16xi32>
        %shift_left3A_388 = arith.shli %bitcast3A, %shift_left3A_387 : vector<16xi32>
        %and3A = arith.constant 4080 : i32
        %and3A_389 = vector.broadcast %and3A : i32 to vector<16xi32>
        %and3A_390 = arith.andi %shift_left3A_388, %and3A_389 : vector<16xi32>
        %add3A_391 = arith.addi %and3A_390, %add3A_355 : vector<16xi32>
        %gather3A_392 = tpu.vector_load_idx %arg8[%add3A_391] : memref<2560xf32, #tpu.memory_space<vmem>>[vector<16xi32>], vector<16xf32>,
        %add3A_393 = arith.addf %scan3A_377, %gather3A_392 : vector<16xf32>
        %shift_right_arithmetic3A = arith.constant 4 : i32
        %shift_right_arithmetic3A_394 = vector.broadcast %shift_right_arithmetic3A : i32 to vector<16xi32>
        %shift_right_arithmetic3A_395 = arith.shrsi %bitcast3A, %shift_right_arithmetic3A_394 : vector<16xi32>
        %and3A_396 = arith.constant 4080 : i32
        %and3A_397 = vector.broadcast %and3A_396 : i32 to vector<16xi32>
        %and3A_398 = arith.andi %shift_right_arithmetic3A_395, %and3A_397 : vector<16xi32>
        %add3A_399 = arith.addi %and3A_398, %add3A_355 : vector<16xi32>
        %gather3A_400 = tpu.vector_load_idx %arg8[%add3A_399] : memref<2560xf32, #tpu.memory_space<vmem>>[vector<16xi32>], vector<16xf32>,
        %add3A_401 = arith.addf %add3A_393, %gather3A_400 : vector<16xf32>
        %shift_right_arithmetic3A_402 = arith.constant 12 : i32
        %shift_right_arithmetic3A_403 = vector.broadcast %shift_right_arithmetic3A_402 : i32 to vector<16xi32>
        %shift_right_arithmetic3A_404 = arith.shrsi %bitcast3A, %shift_right_arithmetic3A_403 : vector<16xi32>
        %and3A_405 = arith.constant 4080 : i32
        %and3A_406 = vector.broadcast %and3A_405 : i32 to vector<16xi32>
        %and3A_407 = arith.andi %shift_right_arithmetic3A_404, %and3A_406 : vector<16xi32>
        %add3A_408 = arith.addi %and3A_407, %add3A_355 : vector<16xi32>
        %gather3A_409 = tpu.vector_load_idx %arg8[%add3A_408] : memref<2560xf32, #tpu.memory_space<vmem>>[vector<16xi32>], vector<16xf32>,
        %add3A_410 = arith.addf %add3A_401, %gather3A_409 : vector<16xf32>
        %shift_right_arithmetic3A_411 = arith.constant 20 : i32
        %shift_right_arithmetic3A_412 = vector.broadcast %shift_right_arithmetic3A_411 : i32 to vector<16xi32>
        %shift_right_arithmetic3A_413 = arith.shrsi %bitcast3A, %shift_right_arithmetic3A_412 : vector<16xi32>
        %and3A_414 = arith.constant 4080 : i32
        %and3A_415 = vector.broadcast %and3A_414 : i32 to vector<16xi32>
        %and3A_416 = arith.andi %shift_right_arithmetic3A_413, %and3A_415 : vector<16xi32>
        %add3A_417 = arith.addi %and3A_416, %add3A_355 : vector<16xi32>
        %gather3A_418 = tpu.vector_load_idx %arg8[%add3A_417] : memref<2560xf32, #tpu.memory_space<vmem>>[vector<16xi32>], vector<16xf32>,
        %add3A_419 = arith.addf %add3A_410, %gather3A_418 : vector<16xf32>
        %scan3A_420 = arith.constant 1 : i32
        %scan3A_421 = arith.addi %scan3A_376, %scan3A_420 : i32
        %mul3A_422 = arith.constant 3 : i32
        %mul3A_423 = arith.muli %mul3A_422, %scan3A_340 : i32
        %add3A_424 = arith.constant 1 : i32
        %add3A_425 = arith.addi %mul3A_423, %add3A_424 : i32
        %mul3A_426 = arith.constant 64 : i32
        %mul3A_427 = arith.muli %scan3A_421, %mul3A_426 : i32
        %get3A_428 = arith.index_cast %add3A_425 : i32 to index
        %get3A_429 = arith.index_cast %mul3A_427 : i32 to index
        %get3A_430 = tpu.vector_load %arg7[%get3A_428, %get3A_429] {strides = array<i32>} : memref<48x1280xi8, #tpu.memory_space<vmem>>, vector<64xi8>,
        %bitcast3A_431 = vector.bitcast %get3A_430 : vector<64xi8> to vector<16xi32>
        %shift_left3A_432 = arith.constant 4 : i32
        %shift_left3A_433 = vector.broadcast %shift_left3A_432 : i32 to vector<16xi32>
        %shift_left3A_434 = arith.shli %bitcast3A_431, %shift_left3A_433 : vector<16xi32>
        %and3A_435 = arith.constant 4080 : i32
        %and3A_436 = vector.broadcast %and3A_435 : i32 to vector<16xi32>
        %and3A_437 = arith.andi %shift_left3A_434, %and3A_436 : vector<16xi32>
        %add3A_438 = arith.addi %and3A_437, %add3A_355 : vector<16xi32>
        %gather3A_439 = tpu.vector_load_idx %arg8[%add3A_438] : memref<2560xf32, #tpu.memory_space<vmem>>[vector<16xi32>], vector<16xf32>,
        %add3A_440 = arith.addf %add3A_419, %gather3A_439 : vector<16xf32>
        %shift_right_arithmetic3A_441 = arith.constant 4 : i32
        %shift_right_arithmetic3A_442 = vector.broadcast %shift_right_arithmetic3A_441 : i32 to vector<16xi32>
        %shift_right_arithmetic3A_443 = arith.shrsi %bitcast3A_431, %shift_right_arithmetic3A_442 : vector<16xi32>
        %and3A_444 = arith.constant 4080 : i32
        %and3A_445 = vector.broadcast %and3A_444 : i32 to vector<16xi32>
        %and3A_446 = arith.andi %shift_right_arithmetic3A_443, %and3A_445 : vector<16xi32>
        %add3A_447 = arith.addi %and3A_446, %add3A_355 : vector<16xi32>
        %gather3A_448 = tpu.vector_load_idx %arg8[%add3A_447] : memref<2560xf32, #tpu.memory_space<vmem>>[vector<16xi32>], vector<16xf32>,
        %add3A_449 = arith.addf %add3A_440, %gather3A_448 : vector<16xf32>
        %shift_right_arithmetic3A_450 = arith.constant 12 : i32
        %shift_right_arithmetic3A_451 = vector.broadcast %shift_right_arithmetic3A_450 : i32 to vector<16xi32>
        %shift_right_arithmetic3A_452 = arith.shrsi %bitcast3A_431, %shift_right_arithmetic3A_451 : vector<16xi32>
        %and3A_453 = arith.constant 4080 : i32
        %and3A_454 = vector.broadcast %and3A_453 : i32 to vector<16xi32>
        %and3A_455 = arith.andi %shift_right_arithmetic3A_452, %and3A_454 : vector<16xi32>
        %add3A_456 = arith.addi %and3A_455, %add3A_355 : vector<16xi32>
        %gather3A_457 = tpu.vector_load_idx %arg8[%add3A_456] : memref<2560xf32, #tpu.memory_space<vmem>>[vector<16xi32>], vector<16xf32>,
        %add3A_458 = arith.addf %add3A_449, %gather3A_457 : vector<16xf32>
        %shift_right_arithmetic3A_459 = arith.constant 20 : i32
        %shift_right_arithmetic3A_460 = vector.broadcast %shift_right_arithmetic3A_459 : i32 to vector<16xi32>
        %shift_right_arithmetic3A_461 = arith.shrsi %bitcast3A_431, %shift_right_arithmetic3A_460 : vector<16xi32>
        %and3A_462 = arith.constant 4080 : i32
        %and3A_463 = vector.broadcast %and3A_462 : i32 to vector<16xi32>
        %and3A_464 = arith.andi %shift_right_arithmetic3A_461, %and3A_463 : vector<16xi32>
        %add3A_465 = arith.addi %and3A_464, %add3A_355 : vector<16xi32>
        %gather3A_466 = tpu.vector_load_idx %arg8[%add3A_465] : memref<2560xf32, #tpu.memory_space<vmem>>[vector<16xi32>], vector<16xf32>,
        %add3A_467 = arith.addf %add3A_458, %gather3A_466 : vector<16xf32>
        %scan3A_468 = arith.constant 2 : i32
        %scan3A_469 = arith.addi %scan3A_376, %scan3A_468 : i32
        %mul3A_470 = arith.constant 3 : i32
        %mul3A_471 = arith.muli %mul3A_470, %scan3A_340 : i32
        %add3A_472 = arith.constant 1 : i32
        %add3A_473 = arith.addi %mul3A_471, %add3A_472 : i32
        %mul3A_474 = arith.constant 64 : i32
        %mul3A_475 = arith.muli %scan3A_469, %mul3A_474 : i32
        %get3A_476 = arith.index_cast %add3A_473 : i32 to index
        %get3A_477 = arith.index_cast %mul3A_475 : i32 to index
        %get3A_478 = tpu.vector_load %arg7[%get3A_476, %get3A_477] {strides = array<i32>} : memref<48x1280xi8, #tpu.memory_space<vmem>>, vector<64xi8>,
        %bitcast3A_479 = vector.bitcast %get3A_478 : vector<64xi8> to vector<16xi32>
        %shift_left3A_480 = arith.constant 4 : i32
        %shift_left3A_481 = vector.broadcast %shift_left3A_480 : i32 to vector<16xi32>
        %shift_left3A_482 = arith.shli %bitcast3A_479, %shift_left3A_481 : vector<16xi32>
        %and3A_483 = arith.constant 4080 : i32
        %and3A_484 = vector.broadcast %and3A_483 : i32 to vector<16xi32>
        %and3A_485 = arith.andi %shift_left3A_482, %and3A_484 : vector<16xi32>
        %add3A_486 = arith.addi %and3A_485, %add3A_355 : vector<16xi32>
        %gather3A_487 = tpu.vector_load_idx %arg8[%add3A_486] : memref<2560xf32, #tpu.memory_space<vmem>>[vector<16xi32>], vector<16xf32>,
        %add3A_488 = arith.addf %add3A_467, %gather3A_487 : vector<16xf32>
        %shift_right_arithmetic3A_489 = arith.constant 4 : i32
        %shift_right_arithmetic3A_490 = vector.broadcast %shift_right_arithmetic3A_489 : i32 to vector<16xi32>
        %shift_right_arithmetic3A_491 = arith.shrsi %bitcast3A_479, %shift_right_arithmetic3A_490 : vector<16xi32>
        %and3A_492 = arith.constant 4080 : i32
        %and3A_493 = vector.broadcast %and3A_492 : i32 to vector<16xi32>
        %and3A_494 = arith.andi %shift_right_arithmetic3A_491, %and3A_493 : vector<16xi32>
        %add3A_495 = arith.addi %and3A_494, %add3A_355 : vector<16xi32>
        %gather3A_496 = tpu.vector_load_idx %arg8[%add3A_495] : memref<2560xf32, #tpu.memory_space<vmem>>[vector<16xi32>], vector<16xf32>,
        %add3A_497 = arith.addf %add3A_488, %gather3A_496 : vector<16xf32>
        %shift_right_arithmetic3A_498 = arith.constant 12 : i32
        %shift_right_arithmetic3A_499 = vector.broadcast %shift_right_arithmetic3A_498 : i32 to vector<16xi32>
        %shift_right_arithmetic3A_500 = arith.shrsi %bitcast3A_479, %shift_right_arithmetic3A_499 : vector<16xi32>
        %and3A_501 = arith.constant 4080 : i32
        %and3A_502 = vector.broadcast %and3A_501 : i32 to vector<16xi32>
        %and3A_503 = arith.andi %shift_right_arithmetic3A_500, %and3A_502 : vector<16xi32>
        %add3A_504 = arith.addi %and3A_503, %add3A_355 : vector<16xi32>
        %gather3A_505 = tpu.vector_load_idx %arg8[%add3A_504] : memref<2560xf32, #tpu.memory_space<vmem>>[vector<16xi32>], vector<16xf32>,
        %add3A_506 = arith.addf %add3A_497, %gather3A_505 : vector<16xf32>
        %shift_right_arithmetic3A_507 = arith.constant 20 : i32
        %shift_right_arithmetic3A_508 = vector.broadcast %shift_right_arithmetic3A_507 : i32 to vector<16xi32>
        %shift_right_arithmetic3A_509 = arith.shrsi %bitcast3A_479, %shift_right_arithmetic3A_508 : vector<16xi32>
        %and3A_510 = arith.constant 4080 : i32
        %and3A_511 = vector.broadcast %and3A_510 : i32 to vector<16xi32>
        %and3A_512 = arith.andi %shift_right_arithmetic3A_509, %and3A_511 : vector<16xi32>
        %add3A_513 = arith.addi %and3A_512, %add3A_355 : vector<16xi32>
        %gather3A_514 = tpu.vector_load_idx %arg8[%add3A_513] : memref<2560xf32, #tpu.memory_space<vmem>>[vector<16xi32>], vector<16xf32>,
        %add3A_515 = arith.addf %add3A_506, %gather3A_514 : vector<16xf32>
        %scan3A_516 = arith.constant 3 : i32
        %scan3A_517 = arith.addi %scan3A_376, %scan3A_516 : i32
        %mul3A_518 = arith.constant 3 : i32
        %mul3A_519 = arith.muli %mul3A_518, %scan3A_340 : i32
        %add3A_520 = arith.constant 1 : i32
        %add3A_521 = arith.addi %mul3A_519, %add3A_520 : i32
        %mul3A_522 = arith.constant 64 : i32
        %mul3A_523 = arith.muli %scan3A_517, %mul3A_522 : i32
        %get3A_524 = arith.index_cast %add3A_521 : i32 to index
        %get3A_525 = arith.index_cast %mul3A_523 : i32 to index
        %get3A_526 = tpu.vector_load %arg7[%get3A_524, %get3A_525] {strides = array<i32>} : memref<48x1280xi8, #tpu.memory_space<vmem>>, vector<64xi8>,
        %bitcast3A_527 = vector.bitcast %get3A_526 : vector<64xi8> to vector<16xi32>
        %shift_left3A_528 = arith.constant 4 : i32
        %shift_left3A_529 = vector.broadcast %shift_left3A_528 : i32 to vector<16xi32>
        %shift_left3A_530 = arith.shli %bitcast3A_527, %shift_left3A_529 : vector<16xi32>
        %and3A_531 = arith.constant 4080 : i32
        %and3A_532 = vector.broadcast %and3A_531 : i32 to vector<16xi32>
        %and3A_533 = arith.andi %shift_left3A_530, %and3A_532 : vector<16xi32>
        %add3A_534 = arith.addi %and3A_533, %add3A_355 : vector<16xi32>
        %gather3A_535 = tpu.vector_load_idx %arg8[%add3A_534] : memref<2560xf32, #tpu.memory_space<vmem>>[vector<16xi32>], vector<16xf32>,
        %add3A_536 = arith.addf %add3A_515, %gather3A_535 : vector<16xf32>
        %shift_right_arithmetic3A_537 = arith.constant 4 : i32
        %shift_right_arithmetic3A_538 = vector.broadcast %shift_right_arithmetic3A_537 : i32 to vector<16xi32>
        %shift_right_arithmetic3A_539 = arith.shrsi %bitcast3A_527, %shift_right_arithmetic3A_538 : vector<16xi32>
        %and3A_540 = arith.constant 4080 : i32
        %and3A_541 = vector.broadcast %and3A_540 : i32 to vector<16xi32>
        %and3A_542 = arith.andi %shift_right_arithmetic3A_539, %and3A_541 : vector<16xi32>
        %add3A_543 = arith.addi %and3A_542, %add3A_355 : vector<16xi32>
        %gather3A_544 = tpu.vector_load_idx %arg8[%add3A_543] : memref<2560xf32, #tpu.memory_space<vmem>>[vector<16xi32>], vector<16xf32>,
        %add3A_545 = arith.addf %add3A_536, %gather3A_544 : vector<16xf32>
        %shift_right_arithmetic3A_546 = arith.constant 12 : i32
        %shift_right_arithmetic3A_547 = vector.broadcast %shift_right_arithmetic3A_546 : i32 to vector<16xi32>
        %shift_right_arithmetic3A_548 = arith.shrsi %bitcast3A_527, %shift_right_arithmetic3A_547 : vector<16xi32>
        %and3A_549 = arith.constant 4080 : i32
        %and3A_550 = vector.broadcast %and3A_549 : i32 to vector<16xi32>
        %and3A_551 = arith.andi %shift_right_arithmetic3A_548, %and3A_550 : vector<16xi32>
        %add3A_552 = arith.addi %and3A_551, %add3A_355 : vector<16xi32>
        %gather3A_553 = tpu.vector_load_idx %arg8[%add3A_552] : memref<2560xf32, #tpu.memory_space<vmem>>[vector<16xi32>], vector<16xf32>,
        %add3A_554 = arith.addf %add3A_545, %gather3A_553 : vector<16xf32>
        %shift_right_arithmetic3A_555 = arith.constant 20 : i32
        %shift_right_arithmetic3A_556 = vector.broadcast %shift_right_arithmetic3A_555 : i32 to vector<16xi32>
        %shift_right_arithmetic3A_557 = arith.shrsi %bitcast3A_527, %shift_right_arithmetic3A_556 : vector<16xi32>
        %and3A_558 = arith.constant 4080 : i32
        %and3A_559 = vector.broadcast %and3A_558 : i32 to vector<16xi32>
        %and3A_560 = arith.andi %shift_right_arithmetic3A_557, %and3A_559 : vector<16xi32>
        %add3A_561 = arith.addi %and3A_560, %add3A_355 : vector<16xi32>
        %gather3A_562 = tpu.vector_load_idx %arg8[%add3A_561] : memref<2560xf32, #tpu.memory_space<vmem>>[vector<16xi32>], vector<16xf32>,
        %add3A_563 = arith.addf %add3A_554, %gather3A_562 : vector<16xf32>
        scf.yield %add3A_563 : vector<16xf32>
      }
      %scan3A_361 = arith.constant 20 : i32
      %add3A_362 = arith.constant 1600 : i32
      %add3A_363 = vector.broadcast %add3A_362 : i32 to vector<16xi32>
      %add3A_364 = arith.addi %add3A_363, %iota3A : vector<16xi32>
      %scan3A_365 = arith.constant 0 : i32
      %scan3A_366 = arith.constant 20 : i32
      %scan3A_367 = arith.addi %scan3A_365, %scan3A_366 : i32
      %scan3A_368 = arith.constant 4 : i32
      %scan3A_369 = scf.for %scan3A_376 = %scan3A_365 to %scan3A_367 step %scan3A_368 iter_args(%scan3A_377 = %scan3A_360) -> (vector<16xf32>)  : i32 {
        %mul3A_378 = arith.constant 3 : i32
        %mul3A_379 = arith.muli %mul3A_378, %scan3A_340 : i32
        %add3A_380 = arith.constant 2 : i32
        %add3A_381 = arith.addi %mul3A_379, %add3A_380 : i32
        %mul3A_382 = arith.constant 64 : i32
        %mul3A_383 = arith.muli %scan3A_376, %mul3A_382 : i32
        %get3A_384 = arith.index_cast %add3A_381 : i32 to index
        %get3A_385 = arith.index_cast %mul3A_383 : i32 to index
        %get3A_386 = tpu.vector_load %arg7[%get3A_384, %get3A_385] {strides = array<i32>} : memref<48x1280xi8, #tpu.memory_space<vmem>>, vector<64xi8>,
        %bitcast3A = vector.bitcast %get3A_386 : vector<64xi8> to vector<16xi32>
        %shift_left3A = arith.constant 4 : i32
        %shift_left3A_387 = vector.broadcast %shift_left3A : i32 to vector<16xi32>
        %shift_left3A_388 = arith.shli %bitcast3A, %shift_left3A_387 : vector<16xi32>
        %and3A = arith.constant 4080 : i32
        %and3A_389 = vector.broadcast %and3A : i32 to vector<16xi32>
        %and3A_390 = arith.andi %shift_left3A_388, %and3A_389 : vector<16xi32>
        %add3A_391 = arith.addi %and3A_390, %add3A_364 : vector<16xi32>
        %gather3A_392 = tpu.vector_load_idx %arg8[%add3A_391] : memref<2560xf32, #tpu.memory_space<vmem>>[vector<16xi32>], vector<16xf32>,
        %add3A_393 = arith.addf %scan3A_377, %gather3A_392 : vector<16xf32>
        %shift_right_arithmetic3A = arith.constant 4 : i32
        %shift_right_arithmetic3A_394 = vector.broadcast %shift_right_arithmetic3A : i32 to vector<16xi32>
        %shift_right_arithmetic3A_395 = arith.shrsi %bitcast3A, %shift_right_arithmetic3A_394 : vector<16xi32>
        %and3A_396 = arith.constant 4080 : i32
        %and3A_397 = vector.broadcast %and3A_396 : i32 to vector<16xi32>
        %and3A_398 = arith.andi %shift_right_arithmetic3A_395, %and3A_397 : vector<16xi32>
        %add3A_399 = arith.addi %and3A_398, %add3A_364 : vector<16xi32>
        %gather3A_400 = tpu.vector_load_idx %arg8[%add3A_399] : memref<2560xf32, #tpu.memory_space<vmem>>[vector<16xi32>], vector<16xf32>,
        %add3A_401 = arith.addf %add3A_393, %gather3A_400 : vector<16xf32>
        %shift_right_arithmetic3A_402 = arith.constant 12 : i32
        %shift_right_arithmetic3A_403 = vector.broadcast %shift_right_arithmetic3A_402 : i32 to vector<16xi32>
        %shift_right_arithmetic3A_404 = arith.shrsi %bitcast3A, %shift_right_arithmetic3A_403 : vector<16xi32>
        %and3A_405 = arith.constant 4080 : i32
        %and3A_406 = vector.broadcast %and3A_405 : i32 to vector<16xi32>
        %and3A_407 = arith.andi %shift_right_arithmetic3A_404, %and3A_406 : vector<16xi32>
        %add3A_408 = arith.addi %and3A_407, %add3A_364 : vector<16xi32>
        %gather3A_409 = tpu.vector_load_idx %arg8[%add3A_408] : memref<2560xf32, #tpu.memory_space<vmem>>[vector<16xi32>], vector<16xf32>,
        %add3A_410 = arith.addf %add3A_401, %gather3A_409 : vector<16xf32>
        %shift_right_arithmetic3A_411 = arith.constant 20 : i32
        %shift_right_arithmetic3A_412 = vector.broadcast %shift_right_arithmetic3A_411 : i32 to vector<16xi32>
        %shift_right_arithmetic3A_413 = arith.shrsi %bitcast3A, %shift_right_arithmetic3A_412 : vector<16xi32>
        %and3A_414 = arith.constant 4080 : i32
        %and3A_415 = vector.broadcast %and3A_414 : i32 to vector<16xi32>
        %and3A_416 = arith.andi %shift_right_arithmetic3A_413, %and3A_415 : vector<16xi32>
        %add3A_417 = arith.addi %and3A_416, %add3A_364 : vector<16xi32>
        %gather3A_418 = tpu.vector_load_idx %arg8[%add3A_417] : memref<2560xf32, #tpu.memory_space<vmem>>[vector<16xi32>], vector<16xf32>,
        %add3A_419 = arith.addf %add3A_410, %gather3A_418 : vector<16xf32>
        %scan3A_420 = arith.constant 1 : i32
        %scan3A_421 = arith.addi %scan3A_376, %scan3A_420 : i32
        %mul3A_422 = arith.constant 3 : i32
        %mul3A_423 = arith.muli %mul3A_422, %scan3A_340 : i32
        %add3A_424 = arith.constant 2 : i32
        %add3A_425 = arith.addi %mul3A_423, %add3A_424 : i32
        %mul3A_426 = arith.constant 64 : i32
        %mul3A_427 = arith.muli %scan3A_421, %mul3A_426 : i32
        %get3A_428 = arith.index_cast %add3A_425 : i32 to index
        %get3A_429 = arith.index_cast %mul3A_427 : i32 to index
        %get3A_430 = tpu.vector_load %arg7[%get3A_428, %get3A_429] {strides = array<i32>} : memref<48x1280xi8, #tpu.memory_space<vmem>>, vector<64xi8>,
        %bitcast3A_431 = vector.bitcast %get3A_430 : vector<64xi8> to vector<16xi32>
        %shift_left3A_432 = arith.constant 4 : i32
        %shift_left3A_433 = vector.broadcast %shift_left3A_432 : i32 to vector<16xi32>
        %shift_left3A_434 = arith.shli %bitcast3A_431, %shift_left3A_433 : vector<16xi32>
        %and3A_435 = arith.constant 4080 : i32
        %and3A_436 = vector.broadcast %and3A_435 : i32 to vector<16xi32>
        %and3A_437 = arith.andi %shift_left3A_434, %and3A_436 : vector<16xi32>
        %add3A_438 = arith.addi %and3A_437, %add3A_364 : vector<16xi32>
        %gather3A_439 = tpu.vector_load_idx %arg8[%add3A_438] : memref<2560xf32, #tpu.memory_space<vmem>>[vector<16xi32>], vector<16xf32>,
        %add3A_440 = arith.addf %add3A_419, %gather3A_439 : vector<16xf32>
        %shift_right_arithmetic3A_441 = arith.constant 4 : i32
        %shift_right_arithmetic3A_442 = vector.broadcast %shift_right_arithmetic3A_441 : i32 to vector<16xi32>
        %shift_right_arithmetic3A_443 = arith.shrsi %bitcast3A_431, %shift_right_arithmetic3A_442 : vector<16xi32>
        %and3A_444 = arith.constant 4080 : i32
        %and3A_445 = vector.broadcast %and3A_444 : i32 to vector<16xi32>
        %and3A_446 = arith.andi %shift_right_arithmetic3A_443, %and3A_445 : vector<16xi32>
        %add3A_447 = arith.addi %and3A_446, %add3A_364 : vector<16xi32>
        %gather3A_448 = tpu.vector_load_idx %arg8[%add3A_447] : memref<2560xf32, #tpu.memory_space<vmem>>[vector<16xi32>], vector<16xf32>,
        %add3A_449 = arith.addf %add3A_440, %gather3A_448 : vector<16xf32>
        %shift_right_arithmetic3A_450 = arith.constant 12 : i32
        %shift_right_arithmetic3A_451 = vector.broadcast %shift_right_arithmetic3A_450 : i32 to vector<16xi32>
        %shift_right_arithmetic3A_452 = arith.shrsi %bitcast3A_431, %shift_right_arithmetic3A_451 : vector<16xi32>
        %and3A_453 = arith.constant 4080 : i32
        %and3A_454 = vector.broadcast %and3A_453 : i32 to vector<16xi32>
        %and3A_455 = arith.andi %shift_right_arithmetic3A_452, %and3A_454 : vector<16xi32>
        %add3A_456 = arith.addi %and3A_455, %add3A_364 : vector<16xi32>
        %gather3A_457 = tpu.vector_load_idx %arg8[%add3A_456] : memref<2560xf32, #tpu.memory_space<vmem>>[vector<16xi32>], vector<16xf32>,
        %add3A_458 = arith.addf %add3A_449, %gather3A_457 : vector<16xf32>
        %shift_right_arithmetic3A_459 = arith.constant 20 : i32
        %shift_right_arithmetic3A_460 = vector.broadcast %shift_right_arithmetic3A_459 : i32 to vector<16xi32>
        %shift_right_arithmetic3A_461 = arith.shrsi %bitcast3A_431, %shift_right_arithmetic3A_460 : vector<16xi32>
        %and3A_462 = arith.constant 4080 : i32
        %and3A_463 = vector.broadcast %and3A_462 : i32 to vector<16xi32>
        %and3A_464 = arith.andi %shift_right_arithmetic3A_461, %and3A_463 : vector<16xi32>
        %add3A_465 = arith.addi %and3A_464, %add3A_364 : vector<16xi32>
        %gather3A_466 = tpu.vector_load_idx %arg8[%add3A_465] : memref<2560xf32, #tpu.memory_space<vmem>>[vector<16xi32>], vector<16xf32>,
        %add3A_467 = arith.addf %add3A_458, %gather3A_466 : vector<16xf32>
        %scan3A_468 = arith.constant 2 : i32
        %scan3A_469 = arith.addi %scan3A_376, %scan3A_468 : i32
        %mul3A_470 = arith.constant 3 : i32
        %mul3A_471 = arith.muli %mul3A_470, %scan3A_340 : i32
        %add3A_472 = arith.constant 2 : i32
        %add3A_473 = arith.addi %mul3A_471, %add3A_472 : i32
        %mul3A_474 = arith.constant 64 : i32
        %mul3A_475 = arith.muli %scan3A_469, %mul3A_474 : i32
        %get3A_476 = arith.index_cast %add3A_473 : i32 to index
        %get3A_477 = arith.index_cast %mul3A_475 : i32 to index
        %get3A_478 = tpu.vector_load %arg7[%get3A_476, %get3A_477] {strides = array<i32>} : memref<48x1280xi8, #tpu.memory_space<vmem>>, vector<64xi8>,
        %bitcast3A_479 = vector.bitcast %get3A_478 : vector<64xi8> to vector<16xi32>
        %shift_left3A_480 = arith.constant 4 : i32
        %shift_left3A_481 = vector.broadcast %shift_left3A_480 : i32 to vector<16xi32>
        %shift_left3A_482 = arith.shli %bitcast3A_479, %shift_left3A_481 : vector<16xi32>
        %and3A_483 = arith.constant 4080 : i32
        %and3A_484 = vector.broadcast %and3A_483 : i32 to vector<16xi32>
        %and3A_485 = arith.andi %shift_left3A_482, %and3A_484 : vector<16xi32>
        %add3A_486 = arith.addi %and3A_485, %add3A_364 : vector<16xi32>
        %gather3A_487 = tpu.vector_load_idx %arg8[%add3A_486] : memref<2560xf32, #tpu.memory_space<vmem>>[vector<16xi32>], vector<16xf32>,
        %add3A_488 = arith.addf %add3A_467, %gather3A_487 : vector<16xf32>
        %shift_right_arithmetic3A_489 = arith.constant 4 : i32
        %shift_right_arithmetic3A_490 = vector.broadcast %shift_right_arithmetic3A_489 : i32 to vector<16xi32>
        %shift_right_arithmetic3A_491 = arith.shrsi %bitcast3A_479, %shift_right_arithmetic3A_490 : vector<16xi32>
        %and3A_492 = arith.constant 4080 : i32
        %and3A_493 = vector.broadcast %and3A_492 : i32 to vector<16xi32>
        %and3A_494 = arith.andi %shift_right_arithmetic3A_491, %and3A_493 : vector<16xi32>
        %add3A_495 = arith.addi %and3A_494, %add3A_364 : vector<16xi32>
        %gather3A_496 = tpu.vector_load_idx %arg8[%add3A_495] : memref<2560xf32, #tpu.memory_space<vmem>>[vector<16xi32>], vector<16xf32>,
        %add3A_497 = arith.addf %add3A_488, %gather3A_496 : vector<16xf32>
        %shift_right_arithmetic3A_498 = arith.constant 12 : i32
        %shift_right_arithmetic3A_499 = vector.broadcast %shift_right_arithmetic3A_498 : i32 to vector<16xi32>
        %shift_right_arithmetic3A_500 = arith.shrsi %bitcast3A_479, %shift_right_arithmetic3A_499 : vector<16xi32>
        %and3A_501 = arith.constant 4080 : i32
        %and3A_502 = vector.broadcast %and3A_501 : i32 to vector<16xi32>
        %and3A_503 = arith.andi %shift_right_arithmetic3A_500, %and3A_502 : vector<16xi32>
        %add3A_504 = arith.addi %and3A_503, %add3A_364 : vector<16xi32>
        %gather3A_505 = tpu.vector_load_idx %arg8[%add3A_504] : memref<2560xf32, #tpu.memory_space<vmem>>[vector<16xi32>], vector<16xf32>,
        %add3A_506 = arith.addf %add3A_497, %gather3A_505 : vector<16xf32>
        %shift_right_arithmetic3A_507 = arith.constant 20 : i32
        %shift_right_arithmetic3A_508 = vector.broadcast %shift_right_arithmetic3A_507 : i32 to vector<16xi32>
        %shift_right_arithmetic3A_509 = arith.shrsi %bitcast3A_479, %shift_right_arithmetic3A_508 : vector<16xi32>
        %and3A_510 = arith.constant 4080 : i32
        %and3A_511 = vector.broadcast %and3A_510 : i32 to vector<16xi32>
        %and3A_512 = arith.andi %shift_right_arithmetic3A_509, %and3A_511 : vector<16xi32>
        %add3A_513 = arith.addi %and3A_512, %add3A_364 : vector<16xi32>
        %gather3A_514 = tpu.vector_load_idx %arg8[%add3A_513] : memref<2560xf32, #tpu.memory_space<vmem>>[vector<16xi32>], vector<16xf32>,
        %add3A_515 = arith.addf %add3A_506, %gather3A_514 : vector<16xf32>
        %scan3A_516 = arith.constant 3 : i32
        %scan3A_517 = arith.addi %scan3A_376, %scan3A_516 : i32
        %mul3A_518 = arith.constant 3 : i32
        %mul3A_519 = arith.muli %mul3A_518, %scan3A_340 : i32
        %add3A_520 = arith.constant 2 : i32
        %add3A_521 = arith.addi %mul3A_519, %add3A_520 : i32
        %mul3A_522 = arith.constant 64 : i32
        %mul3A_523 = arith.muli %scan3A_517, %mul3A_522 : i32
        %get3A_524 = arith.index_cast %add3A_521 : i32 to index
        %get3A_525 = arith.index_cast %mul3A_523 : i32 to index
        %get3A_526 = tpu.vector_load %arg7[%get3A_524, %get3A_525] {strides = array<i32>} : memref<48x1280xi8, #tpu.memory_space<vmem>>, vector<64xi8>,
        %bitcast3A_527 = vector.bitcast %get3A_526 : vector<64xi8> to vector<16xi32>
        %shift_left3A_528 = arith.constant 4 : i32
        %shift_left3A_529 = vector.broadcast %shift_left3A_528 : i32 to vector<16xi32>
        %shift_left3A_530 = arith.shli %bitcast3A_527, %shift_left3A_529 : vector<16xi32>
        %and3A_531 = arith.constant 4080 : i32
        %and3A_532 = vector.broadcast %and3A_531 : i32 to vector<16xi32>
        %and3A_533 = arith.andi %shift_left3A_530, %and3A_532 : vector<16xi32>
        %add3A_534 = arith.addi %and3A_533, %add3A_364 : vector<16xi32>
        %gather3A_535 = tpu.vector_load_idx %arg8[%add3A_534] : memref<2560xf32, #tpu.memory_space<vmem>>[vector<16xi32>], vector<16xf32>,
        %add3A_536 = arith.addf %add3A_515, %gather3A_535 : vector<16xf32>
        %shift_right_arithmetic3A_537 = arith.constant 4 : i32
        %shift_right_arithmetic3A_538 = vector.broadcast %shift_right_arithmetic3A_537 : i32 to vector<16xi32>
        %shift_right_arithmetic3A_539 = arith.shrsi %bitcast3A_527, %shift_right_arithmetic3A_538 : vector<16xi32>
        %and3A_540 = arith.constant 4080 : i32
        %and3A_541 = vector.broadcast %and3A_540 : i32 to vector<16xi32>
        %and3A_542 = arith.andi %shift_right_arithmetic3A_539, %and3A_541 : vector<16xi32>
        %add3A_543 = arith.addi %and3A_542, %add3A_364 : vector<16xi32>
        %gather3A_544 = tpu.vector_load_idx %arg8[%add3A_543] : memref<2560xf32, #tpu.memory_space<vmem>>[vector<16xi32>], vector<16xf32>,
        %add3A_545 = arith.addf %add3A_536, %gather3A_544 : vector<16xf32>
        %shift_right_arithmetic3A_546 = arith.constant 12 : i32
        %shift_right_arithmetic3A_547 = vector.broadcast %shift_right_arithmetic3A_546 : i32 to vector<16xi32>
        %shift_right_arithmetic3A_548 = arith.shrsi %bitcast3A_527, %shift_right_arithmetic3A_547 : vector<16xi32>
        %and3A_549 = arith.constant 4080 : i32
        %and3A_550 = vector.broadcast %and3A_549 : i32 to vector<16xi32>
        %and3A_551 = arith.andi %shift_right_arithmetic3A_548, %and3A_550 : vector<16xi32>
        %add3A_552 = arith.addi %and3A_551, %add3A_364 : vector<16xi32>
        %gather3A_553 = tpu.vector_load_idx %arg8[%add3A_552] : memref<2560xf32, #tpu.memory_space<vmem>>[vector<16xi32>], vector<16xf32>,
        %add3A_554 = arith.addf %add3A_545, %gather3A_553 : vector<16xf32>
        %shift_right_arithmetic3A_555 = arith.constant 20 : i32
        %shift_right_arithmetic3A_556 = vector.broadcast %shift_right_arithmetic3A_555 : i32 to vector<16xi32>
        %shift_right_arithmetic3A_557 = arith.shrsi %bitcast3A_527, %shift_right_arithmetic3A_556 : vector<16xi32>
        %and3A_558 = arith.constant 4080 : i32
        %and3A_559 = vector.broadcast %and3A_558 : i32 to vector<16xi32>
        %and3A_560 = arith.andi %shift_right_arithmetic3A_557, %and3A_559 : vector<16xi32>
        %add3A_561 = arith.addi %and3A_560, %add3A_364 : vector<16xi32>
        %gather3A_562 = tpu.vector_load_idx %arg8[%add3A_561] : memref<2560xf32, #tpu.memory_space<vmem>>[vector<16xi32>], vector<16xf32>,
        %add3A_563 = arith.addf %add3A_554, %gather3A_562 : vector<16xf32>
        scf.yield %add3A_563 : vector<16xf32>
      }
      %scan3A_370 = arith.constant 20 : i32
      %mul3A_371 = arith.constant 17 : i32
      %mul3A_372 = arith.muli %scan3A_340, %mul3A_371 : i32
      %add3A_373 = vector.broadcast %mul3A_372 : i32 to vector<16xi32>
      %add3A_374 = arith.addi %add3A_373, %iota3A : vector<16xi32>
      tpu.vector_store_idx %arg10[%add3A_374], %scan3A_369 : memref<272xf32, #tpu.memory_space<vmem>>[vector<16xi32>], vector<16xf32>,
      %scan3A_375 = arith.constant 0 : i32
      scf.yield %scan3A_375 : i32
    }
    %scan3A_192 = arith.constant 16 : i32
    %broadcast_in_dim3A_193 = arith.constant 0.000000e+00 : f32
    %broadcast_in_dim3A_194 = vector.broadcast %broadcast_in_dim3A_193 : f32 to vector<16xf32>
    %mul3A_195 = arith.constant 17 : i32
    %mul3A_196 = vector.broadcast %mul3A_195 : i32 to vector<16xi32>
    %mul3A_197 = arith.muli %iota3A, %mul3A_196 : vector<16xi32>
    %add3A_198 = arith.constant 0 : i32
    %add3A_199 = vector.broadcast %add3A_198 : i32 to vector<16xi32>
    %add3A_200 = arith.addi %mul3A_197, %add3A_199 : vector<16xi32>
    %gather3A_201 = tpu.vector_load_idx %arg10[%add3A_200] : memref<272xf32, #tpu.memory_space<vmem>>[vector<16xi32>], vector<16xf32>,
    %add3A_202 = arith.addf %broadcast_in_dim3A_194, %gather3A_201 : vector<16xf32>
    %mul3A_203 = arith.constant 17 : i32
    %mul3A_204 = vector.broadcast %mul3A_203 : i32 to vector<16xi32>
    %mul3A_205 = arith.muli %iota3A, %mul3A_204 : vector<16xi32>
    %add3A_206 = arith.constant 1 : i32
    %add3A_207 = vector.broadcast %add3A_206 : i32 to vector<16xi32>
    %add3A_208 = arith.addi %mul3A_205, %add3A_207 : vector<16xi32>
    %gather3A_209 = tpu.vector_load_idx %arg10[%add3A_208] : memref<272xf32, #tpu.memory_space<vmem>>[vector<16xi32>], vector<16xf32>,
    %add3A_210 = arith.addf %add3A_202, %gather3A_209 : vector<16xf32>
    %mul3A_211 = arith.constant 17 : i32
    %mul3A_212 = vector.broadcast %mul3A_211 : i32 to vector<16xi32>
    %mul3A_213 = arith.muli %iota3A, %mul3A_212 : vector<16xi32>
    %add3A_214 = arith.constant 2 : i32
    %add3A_215 = vector.broadcast %add3A_214 : i32 to vector<16xi32>
    %add3A_216 = arith.addi %mul3A_213, %add3A_215 : vector<16xi32>
    %gather3A_217 = tpu.vector_load_idx %arg10[%add3A_216] : memref<272xf32, #tpu.memory_space<vmem>>[vector<16xi32>], vector<16xf32>,
    %add3A_218 = arith.addf %add3A_210, %gather3A_217 : vector<16xf32>
    %mul3A_219 = arith.constant 17 : i32
    %mul3A_220 = vector.broadcast %mul3A_219 : i32 to vector<16xi32>
    %mul3A_221 = arith.muli %iota3A, %mul3A_220 : vector<16xi32>
    %add3A_222 = arith.constant 3 : i32
    %add3A_223 = vector.broadcast %add3A_222 : i32 to vector<16xi32>
    %add3A_224 = arith.addi %mul3A_221, %add3A_223 : vector<16xi32>
    %gather3A_225 = tpu.vector_load_idx %arg10[%add3A_224] : memref<272xf32, #tpu.memory_space<vmem>>[vector<16xi32>], vector<16xf32>,
    %add3A_226 = arith.addf %add3A_218, %gather3A_225 : vector<16xf32>
    %mul3A_227 = arith.constant 17 : i32
    %mul3A_228 = vector.broadcast %mul3A_227 : i32 to vector<16xi32>
    %mul3A_229 = arith.muli %iota3A, %mul3A_228 : vector<16xi32>
    %add3A_230 = arith.constant 4 : i32
    %add3A_231 = vector.broadcast %add3A_230 : i32 to vector<16xi32>
    %add3A_232 = arith.addi %mul3A_229, %add3A_231 : vector<16xi32>
    %gather3A_233 = tpu.vector_load_idx %arg10[%add3A_232] : memref<272xf32, #tpu.memory_space<vmem>>[vector<16xi32>], vector<16xf32>,
    %add3A_234 = arith.addf %add3A_226, %gather3A_233 : vector<16xf32>
    %mul3A_235 = arith.constant 17 : i32
    %mul3A_236 = vector.broadcast %mul3A_235 : i32 to vector<16xi32>
    %mul3A_237 = arith.muli %iota3A, %mul3A_236 : vector<16xi32>
    %add3A_238 = arith.constant 5 : i32
    %add3A_239 = vector.broadcast %add3A_238 : i32 to vector<16xi32>
    %add3A_240 = arith.addi %mul3A_237, %add3A_239 : vector<16xi32>
    %gather3A_241 = tpu.vector_load_idx %arg10[%add3A_240] : memref<272xf32, #tpu.memory_space<vmem>>[vector<16xi32>], vector<16xf32>,
    %add3A_242 = arith.addf %add3A_234, %gather3A_241 : vector<16xf32>
    %mul3A_243 = arith.constant 17 : i32
    %mul3A_244 = vector.broadcast %mul3A_243 : i32 to vector<16xi32>
    %mul3A_245 = arith.muli %iota3A, %mul3A_244 : vector<16xi32>
    %add3A_246 = arith.constant 6 : i32
    %add3A_247 = vector.broadcast %add3A_246 : i32 to vector<16xi32>
    %add3A_248 = arith.addi %mul3A_245, %add3A_247 : vector<16xi32>
    %gather3A_249 = tpu.vector_load_idx %arg10[%add3A_248] : memref<272xf32, #tpu.memory_space<vmem>>[vector<16xi32>], vector<16xf32>,
    %add3A_250 = arith.addf %add3A_242, %gather3A_249 : vector<16xf32>
    %mul3A_251 = arith.constant 17 : i32
    %mul3A_252 = vector.broadcast %mul3A_251 : i32 to vector<16xi32>
    %mul3A_253 = arith.muli %iota3A, %mul3A_252 : vector<16xi32>
    %add3A_254 = arith.constant 7 : i32
    %add3A_255 = vector.broadcast %add3A_254 : i32 to vector<16xi32>
    %add3A_256 = arith.addi %mul3A_253, %add3A_255 : vector<16xi32>
    %gather3A_257 = tpu.vector_load_idx %arg10[%add3A_256] : memref<272xf32, #tpu.memory_space<vmem>>[vector<16xi32>], vector<16xf32>,
    %add3A_258 = arith.addf %add3A_250, %gather3A_257 : vector<16xf32>
    %mul3A_259 = arith.constant 17 : i32
    %mul3A_260 = vector.broadcast %mul3A_259 : i32 to vector<16xi32>
    %mul3A_261 = arith.muli %iota3A, %mul3A_260 : vector<16xi32>
    %add3A_262 = arith.constant 8 : i32
    %add3A_263 = vector.broadcast %add3A_262 : i32 to vector<16xi32>
    %add3A_264 = arith.addi %mul3A_261, %add3A_263 : vector<16xi32>
    %gather3A_265 = tpu.vector_load_idx %arg10[%add3A_264] : memref<272xf32, #tpu.memory_space<vmem>>[vector<16xi32>], vector<16xf32>,
    %add3A_266 = arith.addf %add3A_258, %gather3A_265 : vector<16xf32>
    %mul3A_267 = arith.constant 17 : i32
    %mul3A_268 = vector.broadcast %mul3A_267 : i32 to vector<16xi32>
    %mul3A_269 = arith.muli %iota3A, %mul3A_268 : vector<16xi32>
    %add3A_270 = arith.constant 9 : i32
    %add3A_271 = vector.broadcast %add3A_270 : i32 to vector<16xi32>
    %add3A_272 = arith.addi %mul3A_269, %add3A_271 : vector<16xi32>
    %gather3A_273 = tpu.vector_load_idx %arg10[%add3A_272] : memref<272xf32, #tpu.memory_space<vmem>>[vector<16xi32>], vector<16xf32>,
    %add3A_274 = arith.addf %add3A_266, %gather3A_273 : vector<16xf32>
    %mul3A_275 = arith.constant 17 : i32
    %mul3A_276 = vector.broadcast %mul3A_275 : i32 to vector<16xi32>
    %mul3A_277 = arith.muli %iota3A, %mul3A_276 : vector<16xi32>
    %add3A_278 = arith.constant 10 : i32
    %add3A_279 = vector.broadcast %add3A_278 : i32 to vector<16xi32>
    %add3A_280 = arith.addi %mul3A_277, %add3A_279 : vector<16xi32>
    %gather3A_281 = tpu.vector_load_idx %arg10[%add3A_280] : memref<272xf32, #tpu.memory_space<vmem>>[vector<16xi32>], vector<16xf32>,
    %add3A_282 = arith.addf %add3A_274, %gather3A_281 : vector<16xf32>
    %mul3A_283 = arith.constant 17 : i32
    %mul3A_284 = vector.broadcast %mul3A_283 : i32 to vector<16xi32>
    %mul3A_285 = arith.muli %iota3A, %mul3A_284 : vector<16xi32>
    %add3A_286 = arith.constant 11 : i32
    %add3A_287 = vector.broadcast %add3A_286 : i32 to vector<16xi32>
    %add3A_288 = arith.addi %mul3A_285, %add3A_287 : vector<16xi32>
    %gather3A_289 = tpu.vector_load_idx %arg10[%add3A_288] : memref<272xf32, #tpu.memory_space<vmem>>[vector<16xi32>], vector<16xf32>,
    %add3A_290 = arith.addf %add3A_282, %gather3A_289 : vector<16xf32>
    %mul3A_291 = arith.constant 17 : i32
    %mul3A_292 = vector.broadcast %mul3A_291 : i32 to vector<16xi32>
    %mul3A_293 = arith.muli %iota3A, %mul3A_292 : vector<16xi32>
    %add3A_294 = arith.constant 12 : i32
    %add3A_295 = vector.broadcast %add3A_294 : i32 to vector<16xi32>
    %add3A_296 = arith.addi %mul3A_293, %add3A_295 : vector<16xi32>
    %gather3A_297 = tpu.vector_load_idx %arg10[%add3A_296] : memref<272xf32, #tpu.memory_space<vmem>>[vector<16xi32>], vector<16xf32>,
    %add3A_298 = arith.addf %add3A_290, %gather3A_297 : vector<16xf32>
    %mul3A_299 = arith.constant 17 : i32
    %mul3A_300 = vector.broadcast %mul3A_299 : i32 to vector<16xi32>
    %mul3A_301 = arith.muli %iota3A, %mul3A_300 : vector<16xi32>
    %add3A_302 = arith.constant 13 : i32
    %add3A_303 = vector.broadcast %add3A_302 : i32 to vector<16xi32>
    %add3A_304 = arith.addi %mul3A_301, %add3A_303 : vector<16xi32>
    %gather3A_305 = tpu.vector_load_idx %arg10[%add3A_304] : memref<272xf32, #tpu.memory_space<vmem>>[vector<16xi32>], vector<16xf32>,
    %add3A_306 = arith.addf %add3A_298, %gather3A_305 : vector<16xf32>
    %mul3A_307 = arith.constant 17 : i32
    %mul3A_308 = vector.broadcast %mul3A_307 : i32 to vector<16xi32>
    %mul3A_309 = arith.muli %iota3A, %mul3A_308 : vector<16xi32>
    %add3A_310 = arith.constant 14 : i32
    %add3A_311 = vector.broadcast %add3A_310 : i32 to vector<16xi32>
    %add3A_312 = arith.addi %mul3A_309, %add3A_311 : vector<16xi32>
    %gather3A_313 = tpu.vector_load_idx %arg10[%add3A_312] : memref<272xf32, #tpu.memory_space<vmem>>[vector<16xi32>], vector<16xf32>,
    %add3A_314 = arith.addf %add3A_306, %gather3A_313 : vector<16xf32>
    %mul3A_315 = arith.constant 17 : i32
    %mul3A_316 = vector.broadcast %mul3A_315 : i32 to vector<16xi32>
    %mul3A_317 = arith.muli %iota3A, %mul3A_316 : vector<16xi32>
    %add3A_318 = arith.constant 15 : i32
    %add3A_319 = vector.broadcast %add3A_318 : i32 to vector<16xi32>
    %add3A_320 = arith.addi %mul3A_317, %add3A_319 : vector<16xi32>
    %gather3A_321 = tpu.vector_load_idx %arg10[%add3A_320] : memref<272xf32, #tpu.memory_space<vmem>>[vector<16xi32>], vector<16xf32>,
    %add3A_322 = arith.addf %add3A_314, %gather3A_321 : vector<16xf32>
    %div3A_323 = arith.constant 1.000000e+01 : f32
    %div3A_324 = vector.broadcast %div3A_323 : f32 to vector<16xf32>
    %div3A_325 = arith.divf %add3A_322, %div3A_324 : vector<16xf32>
    %add3A_326 = arith.addf %div3A_325, %get3A_30 : vector<16xf32>
    %add3A_327 = arith.constant 16 : i32
    %add3A_328 = vector.broadcast %add3A_327 : i32 to vector<16xi32>
    %add3A_329 = arith.addi %add3A_328, %iota3A : vector<16xi32>
    %broadcast_in_dim3A_330 = arith.constant 0 : i32
    %broadcast_in_dim3A_331 = vector.broadcast %broadcast_in_dim3A_330 : i32 to vector<16xi32>
    %mul3A_332 = arith.mulf %add3A_326, %get3A_14 : vector<16xf32>
    %add3A_333 = arith.addf %mul3A_332, %get3A_22 : vector<16xf32>
    tpu.vector_store_idx %arg11[%add3A_329, %broadcast_in_dim3A_331], %add3A_333 : memref<32x2xf32, #tpu.memory_space<vmem>>[vector<16xi32>, vector<16xi32>], vector<16xf32>,
    %broadcast_in_dim3A_334 = arith.constant 1 : i32
    %broadcast_in_dim3A_335 = vector.broadcast %broadcast_in_dim3A_334 : i32 to vector<16xi32>
    %mul3A_336 = arith.mulf %add3A_326, %get3A_18 : vector<16xf32>
    %add3A_337 = arith.addf %mul3A_336, %get3A_26 : vector<16xf32>
    tpu.vector_store_idx %arg11[%add3A_329, %broadcast_in_dim3A_335], %add3A_337 : memref<32x2xf32, #tpu.memory_space<vmem>>[vector<16xi32>, vector<16xi32>], vector<16xf32>,
    %mul3A_338 = arith.constant 32 : i32
    %mul3A_339 = arith.muli %add3A, %mul3A_338 : i32
    "tpu.region"() ({
      %run_scoped3A = tpu.sem_alloc : memref<!tpu.dma_semaphore, #tpu.memory_space<semaphore_mem>>
      %dma_start3A_340 = arith.constant 0 : i32
      %dma_start3A_341 = tpu.memref_slice %arg5[%mul3A_339, %dma_start3A_340] : memref<1024x2xf32, #tpu.memory_space<hbm>> -> memref<32x2xf32, #tpu.memory_space<hbm>>
      %dma_start3A_342 = arith.constant 0 : i32
      %dma_start3A_343 = tpu.memref_slice %arg5[%mul3A_339, %dma_start3A_342] : memref<1024x2xf32, #tpu.memory_space<hbm>> -> memref<32x2xf32, #tpu.memory_space<hbm>>
      tpu.enqueue_dma source(%arg11 : memref<32x2xf32, #tpu.memory_space<vmem>>) target(%dma_start3A_343 : memref<32x2xf32, #tpu.memory_space<hbm>>) target_semaphore(%run_scoped3A : memref<!tpu.dma_semaphore, #tpu.memory_space<semaphore_mem>>)
      %dma_wait3A_344 = arith.constant 0 : i32
      %dma_wait3A_345 = tpu.memref_slice %arg5[%mul3A_339, %dma_wait3A_344] : memref<1024x2xf32, #tpu.memory_space<hbm>> -> memref<32x2xf32, #tpu.memory_space<hbm>>
      %dma_wait3A_346 = arith.constant 0 : i32
      %dma_wait3A_347 = tpu.memref_slice %arg5[%mul3A_339, %dma_wait3A_346] : memref<1024x2xf32, #tpu.memory_space<hbm>> -> memref<32x2xf32, #tpu.memory_space<hbm>>
      tpu.wait_dma2 semaphore(%run_scoped3A : memref<!tpu.dma_semaphore, #tpu.memory_space<semaphore_mem>>) src(%arg11 : memref<32x2xf32, #tpu.memory_space<vmem>>) dst(%dma_wait3A_347 : memref<32x2xf32, #tpu.memory_space<hbm>>)
      tpu.yield
    }) : () -> ()
    return
  }
}

</mosaic_0001>

<sc_bundles>
// kernel: _run.3.cloned.1.call-start
scs
__scs_entry_jumppad:
0x0: {  	(pc) =	sbr.rel $0x88, $3  }
0x1: {  	(tag) =	ssettag $0x0;
	lr =	simm.s32 $0x1  }
0x2: {  	[smem:$0x3F9E] =	sst lr;
	_ =	strace $0xD0000000  }
0x3: {  	_ = 	snop  }
0x4: {  	_ = 	snop  }
0x5: {  	_ = 	snop  }
0x6: {  	_ = 	snop  }
0x7: {  	_ = 	snop  }
__scs_overlays_trampoline_lowered:
0x8: {  	[smem:$0x3FAD] =	sst s0  }
0x9: {  	[smem:$0x3FAE] =	sst s1  }
0xa: {  	[smem:$0x3FAF] =	sst s2  }
0xb: {  	[smem:$0x3FB0] =	sst s3  }
0xc: {  	[smem:$0x3FB1] =	sst s4  }
0xd: {  	[smem:$0x3FB2] =	sst s5  }
0xe: {  	[smem:$0x3FB3] =	sst s6  }
0xf: {  	[smem:$0x3FB4] =	sst s7  }
0x10: {  	[smem:$0x3FB5] =	sst s8  }
0x11: {  	[smem:$0x3FB6] =	sst s9;
	s0 =	simm.s32 @!p0 $0x0  }
0x12: {  	s1 =	sld [smem:$0x3F9C];
	s0 =	simm.s32 @p0 $0x1  }
0x13: {  	[smem:$0x3FB7] =	sst s0;
	s0 =	simm.s32 @!p1 $0x0  }
0x14: {  	s2 =	sld [smem:$0x3F9B];
	s0 =	simm.s32 @p1 $0x1  }
0x15: {  	[smem:$0x3FB8] =	sst s0;
	s0 =	simm.s32 @!p2 $0x0  }
0x16: {  	s3 =	sld [smem:$0x3FDB];
	s0 =	simm.s32 @p2 $0x1  }
0x17: {  	s4 =	simm.s32 $0x1BF5;
	[smem:$0x3FBA] =	sst s0  }
0x18: {  	s0 =	sld [smem:$0x3F9D];
	_ =	swait.ge [sflag:s4], $0x0  }
0x19: {  	s7 =	sld [smem:$0x3F9E]  }
0x1a: {  	s8 =	sadd.s32 $0xFFFFE003, lr  }
0x1b: {  	s9 =	sadd.s32 $0xFFFFFEF7, lr;
	s5 =	simm.s32 $0xFFFFFFFF;
	p2 =	slt.u32 s8, $0xFFFFF086  }
0x1c: {  	p1 =	slt.u32 s9, $0xF7A;
	s5 =	simm.s32 @!p2 $0x0  }
0x1d: {  	s5 =	simm.s32 @p1 $0x1;
	p0 =	seq.s32 s7, s2  }
0x1e: {  	s7 =	smul.u32 @!p0 $0xF7A, s2;
	p2 =	seq.s32 @!p0 s5, $0x0  }
0x1f: {  	s9 =	smul.u32 $0xF7A, s1;
	s8 =	simm.s32 @!p0 $0x1BF5;
	p2 =	por !p2, p0  }
0x20: {  	[sflag:s8] =	ssyncset.s32 @!p0 $0xFFFFF086;
	s6 =	sadd.s32 @!p0 s3, s7;
	s7 =	simm.s32 @!p0 $0x108  }
0x21: {  	s3 =	sadd.s32 s3, s9;
	s6 =	sadd.s32 @!p0 $0x88, s6;
	s7 =	simm.s32 @p2 $0x1082  }
0x22: {  	[simem:s7], [sflag:s8] =	dma.local @!p0 [hbm:s6], $0xF7A  }
0x23: {  	s9 =	sor.u32 $0xD0000000, s2;
	s6 =	simm.s32 $0x108;
	_ =	swait.ge @!p0 [sflag:s8], $0x0  }
0x24: {  	s3 =	sadd.s32 $0x88, s3;
	s6 =	simm.s32 @!p1 $0x1082;
	[sflag:s4] =	ssyncset.s32 $0xFFFFF086  }
0x25: {  	[simem:s6], [sflag:s4] =	dma.local [hbm:s3], $0xF7A  }
0x26: {  	[smem:$0x3F9E] =	sst s1;
	(tag) =	ssettag s2;
	_ =	strace s9  }
0x27: {  	s1 =	sld [smem:$0x3FAE]  }
0x28: {  	s2 =	sld [smem:$0x3FAF]  }
0x29: {  	s4 =	sld [smem:$0x3FB1]  }
0x2a: {  	p0 =	seq.s32 s5, $0x0;
	s5 =	sld [smem:$0x3FB2]  }
0x2b: {  	s6 =	sld [smem:$0x3FB3]  }
0x2c: {  	s7 =	sld [smem:$0x3FB4]  }
0x2d: {  	s3 =	simm.s32 $0x108;
	s8 =	sld [smem:$0x3FB5]  }
0x2e: {  	s3 =	simm.s32 @!p0 $0x1082;
	s9 =	sld [smem:$0x3FB6]  }
0x2f: {  	lr =	sadd.s32 s0, s3;
	s0 =	sld [smem:$0x3FAD]  }
0x30: {  	s3 =	sld [smem:$0x3FB0]  }
0x31: {  	[smem:$0x3FB9] =	sst s10  }
0x32: {  	s10 =	sld [smem:$0x3FB7];
	_ =	sdelay $0x3  }
0x33: {  	p0 =	seq.s32 s10, $0x1;
	s10 =	sld [smem:$0x3FB9];
	_ =	sdelay $0x3  }
0x34: {  	[smem:$0x3FB9] =	sst s10  }
0x35: {  	s10 =	sld [smem:$0x3FB8];
	_ =	sdelay $0x3  }
0x36: {  	p1 =	seq.s32 s10, $0x1;
	s10 =	sld [smem:$0x3FB9];
	_ =	sdelay $0x3  }
0x37: {  	[smem:$0x3FB9] =	sst s10  }
0x38: {  	s10 =	sld [smem:$0x3FBA]  }
0x39: {  	_ = 	snop;
	(pc) =	sbr.ind lr, $3  }
0x3a: {  	_ = 	snop  }
0x3b: {  	_ = 	snop  }
0x3c: {  	p2 =	seq.s32 s10, $0x1;
	s10 =	sld [smem:$0x3FB9]  }
0x3d: {  	_ =	shalt  }
0x3e: {  	_ =	shalt  }
0x3f: {  	_ =	shalt  }
0x40: {  	_ =	shalt  }
0x41: {  	_ =	shalt  }
0x42: {  	_ =	shalt  }
0x43: {  	_ =	shalt  }
0x44: {  	_ =	shalt  }
0x45: {  	_ =	shalt  }
0x46: {  	_ =	shalt  }
0x47: {  	_ =	shalt  }
0x48: {  	_ =	shalt  }
0x49: {  	_ =	shalt  }
0x4a: {  	_ =	shalt  }
0x4b: {  	_ =	shalt  }
0x4c: {  	_ =	shalt  }
0x4d: {  	_ =	shalt  }
0x4e: {  	_ =	shalt  }
0x4f: {  	_ =	shalt  }
0x50: {  	_ =	shalt  }
0x51: {  	_ =	shalt  }
0x52: {  	_ =	shalt  }
0x53: {  	_ =	shalt  }
0x54: {  	_ =	shalt  }
0x55: {  	_ =	shalt  }
0x56: {  	_ =	shalt  }
0x57: {  	_ =	shalt  }
0x58: {  	_ =	shalt  }
0x59: {  	_ =	shalt  }
0x5a: {  	_ =	shalt  }
0x5b: {  	_ =	shalt  }
0x5c: {  	_ =	shalt  }
0x5d: {  	_ =	shalt  }
0x5e: {  	_ =	shalt  }
0x5f: {  	_ =	shalt  }
0x60: {  	_ =	shalt  }
0x61: {  	_ =	shalt  }
0x62: {  	_ =	shalt  }
0x63: {  	_ =	shalt  }
0x64: {  	_ =	shalt  }
0x65: {  	_ =	shalt  }
0x66: {  	_ =	shalt  }
0x67: {  	_ =	shalt  }
0x68: {  	_ =	shalt  }
0x69: {  	_ =	shalt  }
0x6a: {  	_ =	shalt  }
0x6b: {  	_ =	shalt  }
0x6c: {  	_ =	shalt  }
0x6d: {  	_ =	shalt  }
0x6e: {  	_ =	shalt  }
0x6f: {  	_ =	shalt  }
0x70: {  	_ =	shalt  }
0x71: {  	_ =	shalt  }
0x72: {  	_ =	shalt  }
0x73: {  	_ =	shalt  }
0x74: {  	_ =	shalt  }
0x75: {  	_ =	shalt  }
0x76: {  	_ =	shalt  }
0x77: {  	_ =	shalt  }
0x78: {  	_ =	shalt  }
0x79: {  	_ =	shalt  }
0x7a: {  	_ =	shalt  }
0x7b: {  	_ =	shalt  }
0x7c: {  	_ =	shalt  }
0x7d: {  	_ =	shalt  }
0x7e: {  	_ =	shalt  }
0x7f: {  	_ =	shalt  }
0x80: {  	_ =	shalt  }
0x81: {  	_ =	shalt  }
0x82: {  	_ =	shalt  }
0x83: {  	_ =	shalt  }
0x84: {  	_ =	shalt  }
0x85: {  	_ =	shalt  }
0x86: {  	_ =	shalt  }
0x87: {  	_ =	shalt  }
.Lfunc_end0:
.L_simem_size_0:
called_computation_lowered:
.L_overlay_start_0:
0x88: {  	s2 =	sld [smem:$0x3FD9]  }
0x89: {  	s3 =	sld [smem:$0x3FFE];
	_ =	sdelay $0x1  }
0x8a: {  	s1 =	srdreg.scid  }
0x8b: {  	s0 =	sand.u32 $0x1, s1  }
0x8c: {  	s17 =	sshll.u32 s0, $0xA;
	s2 =	sadd.s32 s3, s2  }
0x8d: {  	s2 =	sadd.s32 s2, s17  }
0x8e: {  	[smem:$0x3FC5] =	sst s2  }
0x8f: {  	_ = 	snop  }
0x90: {  	s2 =	sld [smem:$0x3FC8]  }
0x91: {  	s18 =	sld [smem:$0x3FD0];
	(tm) =	ssettm $0x1  }
0x92: {  	s4 =	sld [smem:$0x3FFB];
	_ =	sdelay $0x3  }
0x93: {  	_ =	strace s4  }
0x94: {  	s4 =	sld [smem:$0x3FFC];
	_ =	sdelay $0x3  }
0x95: {  	_ =	strace s4  }
0x96: {  	s4 =	sld [smem:$0x3FFD];
	_ =	sdelay $0x3  }
0x97: {  	_ =	strace s4  }
0x98: {  	_ =	strace $0x8FFFFFFF  }
0x99: {  	s19 =	sld [smem:$0x3FDB];
	_ =	sdelay $0x1  }
0x9a: {  	s5 =	simm.s32 $_scs_section_size  }
0x9b: {  	s6 =	simm.s32 $_size__tile_overlayer_lowered;
	s7 =	simm.s32 $_tile_overlayer_lowered  }
0x9c: {  	s22 =	simm.s32 $0x1BFF;
	s21 =	sshll.u32 s7, $0x1;
	s4 =	sadd.s32 s5, s19  }
0x9d: {  	s8 =	simm.s32 $0x0;
	s20 =	sshll.u32 s6, $0x1;
	s6 =	sadd.s32 s21, s4  }
0x9e: {  	[timem:s8], [sflag:s22] =	dma.local [hbm:s6], s20  }
0x9f: {  	_ =	swait.ge [sflag:s22], s20  }
0xa0: {  	s5 =	ssub.s32 $0x0, s20;
	[sflag:s22] =	ssyncset.done $0x0  }
0xa1: {  	[sflag:s22] =	ssyncadd.s32 s5;
	_ =	sdelay $0x1  }
0xa2: {  	s23 =	simm.s32 $0x1B8B  }
0xa3: {  	_ =	swait.ge [sflag:s23], $0x1  }
0xa4: {  	[sflag:s23] =	ssyncset.done $0x0  }
0xa5: {  	s25 =	simm.s32 $0x1B8E;
	s24 =	sld [smem:$0x3FFE];
	[sflag:s23] =	ssyncadd.s32 $0xFFFFFFFF  }
0xa6: {  	s26 =	simm.s32 $execute0_lowered;
	[smem:$0x3FD2] =	sst s25  }
0xa7: {  	s6 =	sshll.u32 s26, $0x1;
	_ =	strace $0x80000046;
	[dreg:$0x1] =	wrdreg $0xFFFFFFFF  }
0xa8: {  	s28 =	simm.s32 $_size_execute0_lowered;
	s4 =	sadd.s32 s4, s6;
	[dreg:$0x0] =	wrdreg $0x0  }
0xa9: {  	s6 =	sshll.u32 s28, $0x1;
	[dreg:$0x2] =	wrdreg s4  }
0xaa: {  	[dreg:$0x3] =	wrdreg s6  }
0xab: {  	[dreg:$0x4] =	wrdreg $0xC0  }
0xac: {  	_ =	task [dreg:s8], $0x5FFFF  }
0xad: {  	[dreg:$0x1] =	wrdreg $0xFFFFFFFF  }
0xae: {  	[dreg:$0x0] =	wrdreg $0x60  }
0xaf: {  	[dreg:$0x2] =	wrdreg s24  }
0xb0: {  	[dreg:$0x3] =	wrdreg s2  }
0xb1: {  	[dreg:$0x4] =	wrdreg s18  }
0xb2: {  	[dreg:$0x5] =	wrdreg $0x9  }
0xb3: {  	_ =	task.clear_ibuf [dreg:s8], $0x6FFFF;
	_ =	strace $0x90000046  }
0xb4: {  	s29 =	simm.s32 $0x9;
	_ =	strace $0x80000048  }
0xb5: {  	_ =	swait.ge [sflag:s29], $0x1  }
0xb6: {  	[sflag:s29] =	ssyncadd.s32 $0xFFFFFFFF  }
0xb7: {  	_ =	strace $0x90000048  }
0xb8: {  	_ =	sfence  }
0xb9: {  	s30 =	sld [smem:$0x0];
	_ =	sdelay $0x2  }
0xba: {  	s31 =	sshll.u32 s1, $0xD;
	s1 =	sshrl.u32 s1, $0x2  }
0xbb: {  	s3 =	sand.u32 $0x4000, s31;
	s1 =	sadd.s32 s1, s30  }
0xbc: {  	s0 =	sor.u32 s3, s0;
	s1 =	sshll.u32 s1, $0x11  }
0xbd: {  	s0 =	sor.u32 s1, s0  }
0xbe: {  	s0 =	sadd.s32 $0x8F2B, s0  }
0xbf: {  	[sflag:s0] =	ssyncadd.remote.s32 $0x1  }
0xc0: {  	_ =	sfence.sel $0xFFFF  }
0xc1: {  	[dreg:$0x0] =	wrdreg $0xFFFFFFFF;
	(pc) =	sbr.abs _section_cstart, $3  }
0xc2: {  	[dreg:$0x1] =	wrdreg $0xFFFFFFFF  }
0xc3: {  	_ =	task.clear_ibuf [dreg:s8], $0x2FFFF;
	_ =	strace $0x9FFFFFFF  }
0xc4: {  	(tm) =	ssettm $0x7FFFFFFF  }
0xc5: {  	_ =	shalt  }
tec
execute0_lowered:
.L_overlay_start_1:
0x0: {  	(tag) =	ssettag $0x1  }
0x1: {  	s5 =	rddreg [dreg:$0x0]  }
0x2: {  	s1 =	rddreg [dreg:$0x1]  }
0x3: {  	s2 =	rddreg [dreg:$0x2];
	s4 =	simm.s32 $0x0  }
0x4: {  	[smem:$0x7FF] =	sst s4  }
0x5: {  	s0 =	rddreg [dreg:$0x3];
	v0 =	vimm.f32 $1.000000000e+01;
	_ =	strace $0x80000047  }
0x6: {  	s6 =	srdreg.scid;
	(erf) = vrcp.f32 v0  }
0x7: {  	s3 =	stileid.u32;
	s12 =	simm.s32 $0x3C00;
	s13 =	simm.s32 $0x1;
	v0 =	vlaneseq.u32  }
0x8: {  	s14 =	simm.s32 $0x8280;
	s6 =	sand.u32 $0x1, s6;
	s7 =	sshll.u32 s3, $0x1;
	v1 =	vmul.u32 $0x11, v0;
	v2 =	vor.u32 $0xFF8, v0;
	v3 =	vor.u32 $0x320, v0  }
0x9: {  	s15 =	simm.s32 $0x8390;
	s16 =	simm.s32 $0x2;
	s7 =	sor.u32 s6, s7;
	v4 =	vand.u32 $0x7, v0;
	v5 =	vor.u32 $0x640, v0;
	v18 =	vmul.u32 $0x8, v0  }
0xa: {  	s17 =	simm.s32 $0x0;
	s6 =	ssub.s32 $0x2, s6;
	s9 =	smul.u32 $0x1E000, s7;
	v6 =	vadd.s32 $0x1, v1;
	v7 =	vadd.s32 $0x2, v1;
	v8 =	vadd.s32 $0x3, v1  }
0xb: {  	s10 =	sshll.u32 s7, $0x5;
	s7 =	smul.u32 $0xF00, s7;
	s30 =	sshrl.u32 s6, $0x1;
	v9 =	vadd.s32 $0x4, v1;
	v10 =	vadd.s32 $0x5, v1;
	v11 =	vadd.s32 $0x6, v1  }
0xc: {  	s8 =	sadd.s32 $0x600, s5;
	s10 =	sadd.s32 s10, s5;
	s11 =	ssub.s32 s6, s30;
	v12 =	vadd.s32 $0x7, v1;
	v13 =	vadd.s32 $0x8, v1;
	v14 =	vadd.s32 $0x9, v1  }
0xd: {  	s9 =	sshrl.u32 s9, $0x5;
	s5 =	sadd.s32 s8, s7;
	s7 =	sadd.s32 $0x1E600, s10;
	v15 =	vadd.s32 $0xA, v1;
	v16 =	vadd.s32 $0xB, v1;
	v17 =	vadd.s32 $0xC, v1  }
0xe: {  	s10 =	simm.s32 $0x3;
	s31 =	sadd.s32 s8, s9;
	s8 =	smax.u32 s11, $0x1;
	v19 =	vadd.s32 $0xD, v1;
	v20 =	vadd.s32 $0xE, v1;
	v21 =	vadd.s32 $0xF, v1  }
0xf: {  	s9 =	simm.s32 $0x7800;
	s11 =	simm.s32 $0x8200;
	v23 =	vor.u32 $0x1, v18;
	v24 =	vor.u32 $0x80, v18;
	v25 =	vor.u32 $0x81, v18;
	s6 =	sadd.s32 $0x780, s31;
	v22 =	vpop (erf)  }
.LBB2_1:
0x10: {  	[tilespmem:s9], [sflag:$0x3] =	stream.linear.gather [hbm4b:s1+s4], $0xA00, $0x38;
	[tilespmem:$0x8490] =	vst v63  }
0x11: {  	_ =	swait.ge [sflag:s10], $0xA00  }
0x12: {  	[sflag:s10] =	ssyncset.done $0x0  }
0x13: {  	[sflag:s10] =	ssyncadd.s32 $0xFFFFF600  }
0x14: {  	[tilespmem:s11], [sflag:$0x3] =	stream.linear.gather [hbm4b:s2+s4], $0x80, $0x38;
	[tilespmem:$0x8490] =	vst v63  }
0x15: {  	_ =	swait.ge [sflag:s10], $0x80  }
0x16: {  	[sflag:s10] =	ssyncset.done $0x0  }
0x17: {  	[sflag:s10] =	ssyncadd.s32 $0xFFFFFF80  }
0x18: {  	[tilespmem:s4], [sflag:$0x1] =	stream.linear.gather [hbm4b:s5+s4], $0x3C00, $0x38;
	[tilespmem:$0x8490] =	vst v63  }
0x19: {  	_ = 	snop  }
0x1a: {  	[tilespmem:s12], [sflag:$0x2] =	stream.linear.gather [hbm4b:s6+s4], $0x3C00, $0x38;
	[tilespmem:$0x8490] =	vst v63  }
0x1b: {  	v26 =	vld [tilespmem:$0x8200]  }
0x1c: {  	v27 =	vld [tilespmem:$0x8210]  }
0x1d: {  	v28 =	vld [tilespmem:$0x8220]  }
0x1e: {  	v29 =	vld [tilespmem:$0x8230]  }
0x1f: {  	v30 =	vld [tilespmem:$0x8240];
	_ =	swait.ge [sflag:s13], $0x3C00  }
0x20: {  	s18 =	simm.s32 $0x20;
	s19 =	simm.s32 $0x170;
	[sflag:s13] =	ssyncset.done $0x0  }
0x21: {  	s20 =	simm.s32 $0x2B0;
	s21 =	simm.s32 $0x0;
	[sflag:s13] =	ssyncadd.s32 $0xFFFFC400  }
.LBB2_2:
0x22: {  	v31 =	vld [tilespmem:s18+$0xFFFFFFE0];
	_ =	sdelay $0x4  }
0x23: {  	v32 =	vshll.u32 v31, $0x4  }
0x24: {  	v32 =	vor.u32 v0, v32  }
0x25: {  	v33 =	vshrl.u32 v31, $0x4;
	v32 =	vand.u32 v2, v32  }
0x26: {  	v34 =	vld [tilespmem:s18+$0xFFFFFFF0];
	v33 =	vand.u32 $0xFF0, v33  }
0x27: {  	v35 =	vshrl.u32 v31, $0xC;
	v33 =	vor.u32 v0, v33  }
0x28: {  	v35 =	vand.u32 $0xFF0, v35  }
0x29: {  	v31 =	vshrl.u32 v31, $0x14;
	v35 =	vor.u32 v0, v35  }
0x2a: {  	v31 =	vand.u32 $0xFF0, v31;
	v32 =	vld.idx.msk [tilespmem:v32+s9+$0x0], $0xffff  }
0x2b: {  	v36 =	vshll.u32 v34, $0x4;
	v31 =	vor.u32 v0, v31  }
0x2c: {  	v36 =	vor.u32 v0, v36;
	v33 =	vld.idx.msk [tilespmem:v33+s9+$0x0], $0xffff  }
0x2d: {  	v38 =	vld [tilespmem:s18+$0x0];
	v37 =	vshrl.u32 v34, $0x4;
	v36 =	vand.u32 v2, v36  }
0x2e: {  	v39 =	vimm.f32 $0.0e+00;
	v37 =	vand.u32 $0xFF0, v37;
	v35 =	vld.idx.msk [tilespmem:v35+s9+$0x0], $0xffff  }
0x2f: {  	v40 =	vshrl.u32 v34, $0xC;
	v37 =	vor.u32 v0, v37;
	v32 =	vadd.f32 v32, v39  }
0x30: {  	v51 =	vld.idx.msk [tilespmem:v31+s9+$0x0], $0xffff;
	v31 =	vand.u32 $0xFF0, v40  }
0x31: {  	v52 =	vshrl.u32 v34, $0x14;
	v40 =	vor.u32 v0, v31;
	v31 =	vadd.f32 v33, v32  }
0x32: {  	v53 =	vld.idx.msk [tilespmem:v36+s9+$0x0], $0xffff;
	v32 =	vand.u32 $0xFF0, v52  }
0x33: {  	v54 =	vshll.u32 v38, $0x4;
	v32 =	vor.u32 v0, v32;
	v35 =	vadd.f32 v35, v31  }
0x34: {  	v56 =	vshrl.u32 v38, $0x4;
	v55 =	vld.idx.msk [tilespmem:v37+s9+$0x0], $0xffff;
	v31 =	vor.u32 v0, v54  }
0x35: {  	v34 =	vand.u32 $0xFF0, v56;
	v57 =	vand.u32 v2, v31;
	v31 =	vld [tilespmem:s18+$0x10];
	v35 =	vadd.f32 v51, v35  }
0x36: {  	v59 =	vshrl.u32 v38, $0xC;
	v34 =	vor.u32 v0, v34;
	v58 =	vld.idx.msk [tilespmem:v40+s9+$0x0], $0xffff  }
0x37: {  	v60 =	vand.u32 $0xFF0, v59;
	v35 =	vadd.f32 v53, v35  }
0x38: {  	v38 =	vshrl.u32 v38, $0x14;
	v36 =	vor.u32 v0, v60;
	v33 =	vld.idx.msk [tilespmem:v32+s9+$0x0], $0xffff  }
0x39: {  	v62 =	vand.u32 $0xFF0, v38;
	v61 =	vadd.f32 v55, v35  }
0x3a: {  	v32 =	vld.idx.msk [tilespmem:v57+s9+$0x0], $0xffff;
	v63 =	vshll.u32 v31, $0x4;
	v35 =	vor.u32 v0, v62  }
0x3b: {  	s22 =	simm.s32 $0x0;
	s23 =	sadd.s32 $0x40, s18;
	v34 =	vld.idx.msk [tilespmem:v34+s9+$0x0], $0xffff;
	v38 =	vor.u32 v0, v63;
	v37 =	vadd.f32 v58, v61  }
.LBB2_3:
0x3c: {  	v39 =	vld [tilespmem:s23+$0xFFFFFFE0];
	v38 =	vand.u32 v2, v38;
	v40 =	vshrl.u32 v31, $0x4  }
0x3d: {  	s22 =	sadd.s32 $0x4, s22;
	v33 =	vadd.f32 v33, v37;
	v36 =	vld.idx.msk [tilespmem:v36+s9+$0x0], $0xffff;
	v37 =	vand.u32 $0xFF0, v40  }
0x3e: {  	p0 =	slt.u32 s22, $0x10;
	v40 =	vshrl.u32 v31, $0xC;
	v37 =	vor.u32 v0, v37  }
0x3f: {  	v32 =	vadd.f32 v32, v33;
	v33 =	vld.idx.msk [tilespmem:v35+s9+$0x0], $0xffff;
	v35 =	vand.u32 $0xFF0, v40  }
0x40: {  	v31 =	vshrl.u32 v31, $0x14;
	v35 =	vor.u32 v0, v35  }
0x41: {  	v31 =	vand.u32 $0xFF0, v31;
	v32 =	vadd.f32 v34, v32;
	v34 =	vld.idx.msk [tilespmem:v38+s9+$0x0], $0xffff  }
0x42: {  	v31 =	vor.u32 v0, v31;
	v38 =	vshll.u32 v39, $0x4  }
0x43: {  	v38 =	vor.u32 v0, v38;
	v32 =	vadd.f32 v36, v32;
	v36 =	vld.idx.msk [tilespmem:v37+s9+$0x0], $0xffff  }
0x44: {  	v37 =	vand.u32 v2, v38;
	v38 =	vshrl.u32 v39, $0x4;
	v40 =	vld [tilespmem:s23+$0xFFFFFFF0]  }
0x45: {  	v38 =	vand.u32 $0xFF0, v38;
	v32 =	vadd.f32 v33, v32;
	v33 =	vld.idx.msk [tilespmem:v35+s9+$0x0], $0xffff  }
0x46: {  	v35 =	vor.u32 v0, v38;
	v38 =	vshrl.u32 v39, $0xC  }
0x47: {  	v38 =	vand.u32 $0xFF0, v38;
	v32 =	vadd.f32 v34, v32;
	v31 =	vld.idx.msk [tilespmem:v31+s9+$0x0], $0xffff  }
0x48: {  	v34 =	vor.u32 v0, v38;
	v38 =	vshrl.u32 v39, $0x14  }
0x49: {  	v38 =	vand.u32 $0xFF0, v38;
	v37 =	vld.idx.msk [tilespmem:v37+s9+$0x0], $0xffff;
	v32 =	vadd.f32 v36, v32  }
0x4a: {  	v36 =	vor.u32 v0, v38;
	v38 =	vshll.u32 v40, $0x4  }
0x4b: {  	v38 =	vor.u32 v0, v38;
	v35 =	vld.idx.msk [tilespmem:v35+s9+$0x0], $0xffff;
	v32 =	vadd.f32 v33, v32  }
0x4c: {  	v33 =	vand.u32 v2, v38;
	v38 =	vshrl.u32 v40, $0x4;
	v39 =	vld [tilespmem:s23+$0x0]  }
0x4d: {  	v38 =	vand.u32 $0xFF0, v38;
	v34 =	vld.idx.msk [tilespmem:v34+s9+$0x0], $0xffff;
	v31 =	vadd.f32 v31, v32  }
0x4e: {  	v32 =	vor.u32 v0, v38;
	v38 =	vshrl.u32 v40, $0xC  }
0x4f: {  	v31 =	vadd.f32 v37, v31;
	v36 =	vld.idx.msk [tilespmem:v36+s9+$0x0], $0xffff;
	v37 =	vand.u32 $0xFF0, v38  }
0x50: {  	v38 =	vshrl.u32 v40, $0x14;
	v37 =	vor.u32 v0, v37  }
0x51: {  	v31 =	vadd.f32 v35, v31;
	v33 =	vld.idx.msk [tilespmem:v33+s9+$0x0], $0xffff;
	v35 =	vand.u32 $0xFF0, v38  }
0x52: {  	v38 =	vshll.u32 v39, $0x4;
	v35 =	vor.u32 v0, v35  }
0x53: {  	v34 =	vadd.f32 v34, v31;
	v32 =	vld.idx.msk [tilespmem:v32+s9+$0x0], $0xffff;
	v31 =	vor.u32 v0, v38  }
0x54: {  	v40 =	vshrl.u32 v39, $0x4;
	v38 =	vand.u32 v2, v31;
	v31 =	vld [tilespmem:s23+$0x10]  }
0x55: {  	v34 =	vadd.f32 v36, v34;
	v37 =	vld.idx.msk [tilespmem:v37+s9+$0x0], $0xffff;
	v36 =	vand.u32 $0xFF0, v40  }
0x56: {  	v40 =	vor.u32 v0, v36;
	v36 =	vshrl.u32 v39, $0xC  }
.Ltmp0:
0x57: {  	v34 =	vadd.f32 v33, v34;
	v33 =	vld.idx.msk [tilespmem:v35+s9+$0x0], $0xffff;
	v35 =	vand.u32 $0xFF0, v36;
	(pc) =	sbr.rel @p0 .LBB2_3-.Ltmp0, $4  }
0x58: {  	v36 =	vor.u32 v0, v35;
	v35 =	vshrl.u32 v39, $0x14  }
0x59: {  	v34 =	vadd.f32 v32, v34;
	v32 =	vld.idx.msk [tilespmem:v38+s9+$0x0], $0xffff;
	v35 =	vand.u32 $0xFF0, v35  }
0x5a: {  	v38 =	vshll.u32 v31, $0x4;
	v35 =	vor.u32 v0, v35  }
0x5b: {  	s23 =	sadd.s32 $0x40, s23;
	v38 =	vor.u32 v0, v38;
	v37 =	vadd.f32 v37, v34;
	v34 =	vld.idx.msk [tilespmem:v40+s9+$0x0], $0xffff  }
0x5c: {  	_ =	sdelay $0x2  }
0x5d: {  	v38 =	vand.u32 v2, v38;
	v39 =	vshrl.u32 v31, $0x4;
	v33 =	vadd.f32 v33, v37  }
0x5e: {  	v36 =	vld.idx.msk [tilespmem:v36+s9+$0x0], $0xffff;
	v54 =	vand.u32 $0xFF0, v39  }
0x5f: {  	v55 =	vshrl.u32 v31, $0xC;
	v56 =	vld.idx.msk [tilespmem:v35+s9+$0x0], $0xffff;
	v37 =	vor.u32 v0, v54;
	v32 =	vadd.f32 v32, v33  }
0x60: {  	v58 =	vld [tilespmem:s19+$0xFFFFFFD0];
	v57 =	vand.u32 $0xFF0, v55  }
0x61: {  	v31 =	vshrl.u32 v31, $0x14;
	v35 =	vor.u32 v0, v57;
	v32 =	vadd.f32 v34, v32  }
0x62: {  	v31 =	vand.u32 $0xFF0, v31;
	v38 =	vld.idx.msk [tilespmem:v38+s9+$0x0], $0xffff  }
0x63: {  	v31 =	vor.u32 v0, v31;
	v32 =	vadd.f32 v36, v32  }
0x64: {  	v59 =	vld.idx.msk [tilespmem:v37+s9+$0x0], $0xffff  }
0x65: {  	v61 =	vshll.u32 v58, $0x4;
	v32 =	vadd.f32 v56, v32  }
0x66: {  	v60 =	vld.idx.msk [tilespmem:v35+s9+$0x0], $0xffff;
	v35 =	vand.u32 $0xFF0, v61  }
0x67: {  	v63 =	vld [tilespmem:s19+$0xFFFFFFE0];
	v62 =	vshrl.u32 v58, $0x4;
	v35 =	vadd.s32 v3, v35;
	v32 =	vadd.f32 v38, v32  }
0x68: {  	v44 =	vshrl.u32 v58, $0xC;
	v31 =	vld.idx.msk [tilespmem:v31+s9+$0x0], $0xffff;
	v37 =	vand.u32 $0xFF0, v62;
	v35 =	vand.u32 $0x1FF8, v35  }
0x69: {  	v37 =	vadd.s32 v3, v37;
	v35 =	vor.u32 v4, v35;
	v32 =	vadd.f32 v59, v32  }
0x6a: {  	v34 =	vshrl.u32 v58, $0x14;
	v46 =	vand.u32 $0xFF0, v44;
	v45 =	vand.u32 $0x1FF8, v37  }
0x6b: {  	v50 =	vld [tilespmem:s19+$0xFFFFFFF0];
	v37 =	vadd.s32 v3, v46;
	v33 =	vor.u32 v4, v45;
	v32 =	vadd.f32 v60, v32  }
0x6c: {  	v48 =	vshll.u32 v63, $0x4;
	v34 =	vand.u32 $0xFF0, v34;
	v47 =	vand.u32 $0x1FF8, v37  }
0x6d: {  	v34 =	vadd.s32 v3, v34;
	v31 =	vadd.f32 v31, v32;
	v32 =	vor.u32 v4, v47  }
0x6e: {  	v49 =	vshrl.u32 v63, $0x4;
	v34 =	vand.u32 $0x1FF8, v34;
	v37 =	vand.u32 $0xFF0, v48;
	v35 =	vld.idx.msk [tilespmem:v35+s9+$0x0], $0xffff  }
0x6f: {  	v40 =	vshrl.u32 v63, $0xC;
	v34 =	vor.u32 v4, v34;
	v37 =	vadd.s32 v3, v37  }
0x70: {  	v52 =	vshll.u32 v50, $0x4;
	v38 =	vand.u32 $0xFF0, v49;
	v37 =	vand.u32 $0x1FF8, v37;
	v33 =	vld.idx.msk [tilespmem:v33+s9+$0x0], $0xffff  }
0x71: {  	v40 =	vand.u32 $0xFF0, v40;
	v38 =	vadd.s32 v3, v38;
	v37 =	vor.u32 v4, v37  }
0x72: {  	v41 =	vshrl.u32 v50, $0x4;
	v40 =	vadd.s32 v3, v40;
	v38 =	vand.u32 $0x1FF8, v38;
	v32 =	vld.idx.msk [tilespmem:v32+s9+$0x0], $0xffff  }
0x73: {  	v36 =	vshrl.u32 v63, $0x14;
	v38 =	vor.u32 v4, v38;
	v31 =	vadd.f32 v35, v31  }
0x74: {  	v53 =	vand.u32 $0xFF0, v52;
	v51 =	vand.u32 $0x1FF8, v40;
	v36 =	vand.u32 $0xFF0, v36;
	v34 =	vld.idx.msk [tilespmem:v34+s9+$0x0], $0xffff  }
0x75: {  	v36 =	vadd.s32 v3, v36;
	v35 =	vor.u32 v4, v51;
	v33 =	vadd.f32 v33, v31  }
0x76: {  	v56 =	vand.u32 $0xFF0, v41;
	v37 =	vld.idx.msk [tilespmem:v37+s9+$0x0], $0xffff;
	v31 =	vand.u32 $0x1FF8, v36;
	v36 =	vadd.s32 v3, v53  }
0x77: {  	v54 =	vor.u32 v4, v31;
	v31 =	vld [tilespmem:s19+$0x0];
	v55 =	vand.u32 $0x1FF8, v36;
	v32 =	vadd.f32 v32, v33  }
0x78: {  	v58 =	vadd.s32 v3, v56;
	v59 =	vshrl.u32 v50, $0xC;
	v38 =	vld.idx.msk [tilespmem:v38+s9+$0x0], $0xffff;
	v57 =	vor.u32 v4, v55  }
0x79: {  	v36 =	vand.u32 $0xFF0, v59;
	v33 =	vand.u32 $0x1FF8, v58;
	v32 =	vadd.f32 v34, v32  }
0x7a: {  	v39 =	vshrl.u32 v50, $0x14;
	v60 =	vadd.s32 v3, v36;
	v36 =	vld.idx.msk [tilespmem:v35+s9+$0x0], $0xffff;
	v34 =	vor.u32 v4, v33  }
0x7b: {  	v62 =	vand.u32 $0xFF0, v39;
	v61 =	vand.u32 $0x1FF8, v60;
	v32 =	vadd.f32 v37, v32  }
0x7c: {  	v39 =	vadd.s32 v3, v62;
	v35 =	vor.u32 v4, v61;
	v63 =	vshll.u32 v31, $0x4;
	v33 =	vld.idx.msk [tilespmem:v54+s9+$0x0], $0xffff  }
0x7d: {  	s22 =	simm.s32 $0x0;
	s23 =	sadd.s32 $0x40, s19;
	v37 =	vadd.f32 v38, v32;
	v32 =	vld.idx.msk [tilespmem:v57+s9+$0x0], $0xffff;
	v38 =	vand.u32 $0x1FF8, v39;
	v39 =	vand.u32 $0xFF0, v63  }
.LBB2_5:
0x7e: {  	v40 =	vld [tilespmem:s23+$0xFFFFFFD0];
	v38 =	vor.u32 v4, v38;
	v39 =	vadd.s32 v3, v39;
	v41 =	vshrl.u32 v31, $0x4  }
0x7f: {  	s22 =	sadd.s32 $0x4, s22;
	v36 =	vadd.f32 v36, v37;
	v34 =	vld.idx.msk [tilespmem:v34+s9+$0x0], $0xffff;
	v37 =	vand.u32 $0x1FF8, v39;
	v39 =	vand.u32 $0xFF0, v41  }
0x80: {  	p0 =	slt.u32 s22, $0x10;
	v41 =	vshrl.u32 v31, $0xC;
	v37 =	vor.u32 v4, v37;
	v39 =	vadd.s32 v3, v39  }
0x81: {  	v33 =	vadd.f32 v33, v36;
	v35 =	vld.idx.msk [tilespmem:v35+s9+$0x0], $0xffff;
	v36 =	vand.u32 $0x1FF8, v39;
	v39 =	vand.u32 $0xFF0, v41  }
0x82: {  	v31 =	vshrl.u32 v31, $0x14;
	v36 =	vor.u32 v4, v36;
	v39 =	vadd.s32 v3, v39  }
0x83: {  	v31 =	vand.u32 $0xFF0, v31;
	v32 =	vadd.f32 v32, v33;
	v33 =	vld.idx.msk [tilespmem:v38+s9+$0x0], $0xffff;
	v38 =	vand.u32 $0x1FF8, v39  }
0x84: {  	v31 =	vadd.s32 v3, v31;
	v39 =	vshll.u32 v40, $0x4;
	v38 =	vor.u32 v4, v38  }
0x85: {  	v31 =	vand.u32 $0x1FF8, v31;
	v39 =	vand.u32 $0xFF0, v39;
	v32 =	vadd.f32 v34, v32;
	v34 =	vld.idx.msk [tilespmem:v37+s9+$0x0], $0xffff  }
0x86: {  	v31 =	vor.u32 v4, v31;
	v37 =	vadd.s32 v3, v39;
	v39 =	vshrl.u32 v40, $0x4;
	v41 =	vld [tilespmem:s23+$0xFFFFFFE0]  }
0x87: {  	v37 =	vand.u32 $0x1FF8, v37;
	v39 =	vand.u32 $0xFF0, v39;
	v32 =	vadd.f32 v35, v32;
	v35 =	vld.idx.msk [tilespmem:v36+s9+$0x0], $0xffff  }
0x88: {  	v36 =	vor.u32 v4, v37;
	v37 =	vadd.s32 v3, v39;
	v39 =	vshrl.u32 v40, $0xC  }
0x89: {  	v37 =	vand.u32 $0x1FF8, v37;
	v39 =	vand.u32 $0xFF0, v39;
	v32 =	vadd.f32 v33, v32;
	v33 =	vld.idx.msk [tilespmem:v38+s9+$0x0], $0xffff  }
0x8a: {  	v37 =	vor.u32 v4, v37;
	v38 =	vadd.s32 v3, v39;
	v39 =	vshrl.u32 v40, $0x14  }
0x8b: {  	v38 =	vand.u32 $0x1FF8, v38;
	v39 =	vand.u32 $0xFF0, v39;
	v32 =	vadd.f32 v34, v32;
	v31 =	vld.idx.msk [tilespmem:v31+s9+$0x0], $0xffff  }
0x8c: {  	v34 =	vor.u32 v4, v38;
	v38 =	vadd.s32 v3, v39;
	v39 =	vshll.u32 v41, $0x4  }
0x8d: {  	v38 =	vand.u32 $0x1FF8, v38;
	v39 =	vand.u32 $0xFF0, v39;
	v36 =	vld.idx.msk [tilespmem:v36+s9+$0x0], $0xffff;
	v32 =	vadd.f32 v35, v32  }
0x8e: {  	v35 =	vor.u32 v4, v38;
	v38 =	vadd.s32 v3, v39;
	v39 =	vshrl.u32 v41, $0x4;
	v40 =	vld [tilespmem:s23+$0xFFFFFFF0]  }
0x8f: {  	v38 =	vand.u32 $0x1FF8, v38;
	v39 =	vand.u32 $0xFF0, v39;
	v37 =	vld.idx.msk [tilespmem:v37+s9+$0x0], $0xffff;
	v32 =	vadd.f32 v33, v32  }
0x90: {  	v33 =	vor.u32 v4, v38;
	v38 =	vadd.s32 v3, v39;
	v39 =	vshrl.u32 v41, $0xC  }
0x91: {  	v38 =	vand.u32 $0x1FF8, v38;
	v39 =	vand.u32 $0xFF0, v39;
	v34 =	vld.idx.msk [tilespmem:v34+s9+$0x0], $0xffff;
	v31 =	vadd.f32 v31, v32  }
0x92: {  	v32 =	vor.u32 v4, v38;
	v38 =	vadd.s32 v3, v39;
	v39 =	vshrl.u32 v41, $0x14  }
0x93: {  	v31 =	vadd.f32 v36, v31;
	v35 =	vld.idx.msk [tilespmem:v35+s9+$0x0], $0xffff;
	v36 =	vand.u32 $0x1FF8, v38;
	v38 =	vand.u32 $0xFF0, v39  }
0x94: {  	v39 =	vshll.u32 v40, $0x4;
	v36 =	vor.u32 v4, v36;
	v38 =	vadd.s32 v3, v38  }
0x95: {  	v37 =	vadd.f32 v37, v31;
	v33 =	vld.idx.msk [tilespmem:v33+s9+$0x0], $0xffff;
	v31 =	vand.u32 $0x1FF8, v38;
	v38 =	vand.u32 $0xFF0, v39  }
0x96: {  	v41 =	vshrl.u32 v40, $0x4;
	v39 =	vor.u32 v4, v31;
	v38 =	vadd.s32 v3, v38;
	v31 =	vld [tilespmem:s23+$0x0]  }
0x97: {  	v34 =	vadd.f32 v34, v37;
	v32 =	vld.idx.msk [tilespmem:v32+s9+$0x0], $0xffff;
	v37 =	vand.u32 $0x1FF8, v38;
	v38 =	vand.u32 $0xFF0, v41  }
0x98: {  	v41 =	vor.u32 v4, v37;
	v37 =	vadd.s32 v3, v38;
	v38 =	vshrl.u32 v40, $0xC  }
.Ltmp1:
0x99: {  	v35 =	vadd.f32 v35, v34;
	v36 =	vld.idx.msk [tilespmem:v36+s9+$0x0], $0xffff;
	v34 =	vand.u32 $0x1FF8, v37;
	v37 =	vand.u32 $0xFF0, v38;
	(pc) =	sbr.rel @p0 .LBB2_5-.Ltmp1, $4  }
0x9a: {  	v38 =	vshrl.u32 v40, $0x14;
	v34 =	vor.u32 v4, v34;
	v37 =	vadd.s32 v3, v37  }
0x9b: {  	v40 =	vadd.f32 v33, v35;
	v33 =	vld.idx.msk [tilespmem:v39+s9+$0x0], $0xffff;
	v35 =	vand.u32 $0x1FF8, v37;
	v37 =	vand.u32 $0xFF0, v38  }
0x9c: {  	v39 =	vshll.u32 v31, $0x4;
	v35 =	vor.u32 v4, v35;
	v38 =	vadd.s32 v3, v37  }
0x9d: {  	s23 =	sadd.s32 $0x40, s23;
	v39 =	vand.u32 $0xFF0, v39;
	v37 =	vadd.f32 v32, v40;
	v32 =	vld.idx.msk [tilespmem:v41+s9+$0x0], $0xffff;
	v38 =	vand.u32 $0x1FF8, v38  }
0x9e: {  	_ =	sdelay $0x1  }
0x9f: {  	v38 =	vor.u32 v4, v38  }
0xa0: {  	v39 =	vadd.s32 v3, v39;
	v40 =	vshrl.u32 v31, $0x4;
	v36 =	vadd.f32 v36, v37  }
0xa1: {  	v34 =	vld.idx.msk [tilespmem:v34+s9+$0x0], $0xffff;
	v53 =	vshrl.u32 v31, $0xC;
	v51 =	vand.u32 $0x1FF8, v39;
	v52 =	vand.u32 $0xFF0, v40  }
0xa2: {  	v37 =	vor.u32 v4, v51;
	v39 =	vadd.s32 v3, v52;
	v33 =	vadd.f32 v33, v36  }
0xa3: {  	v35 =	vld.idx.msk [tilespmem:v35+s9+$0x0], $0xffff;
	v31 =	vshrl.u32 v31, $0x14;
	v55 =	vand.u32 $0xFF0, v53;
	v54 =	vand.u32 $0x1FF8, v39  }
0xa4: {  	v58 =	vld [tilespmem:s20+$0xFFFFFFD0];
	v39 =	vadd.s32 v3, v55;
	v36 =	vor.u32 v4, v54;
	v32 =	vadd.f32 v32, v33  }
0xa5: {  	v31 =	vand.u32 $0xFF0, v31;
	v57 =	vand.u32 $0x1FF8, v39;
	v56 =	vld.idx.msk [tilespmem:v38+s9+$0x0], $0xffff  }
0xa6: {  	v31 =	vadd.s32 v3, v31;
	v38 =	vor.u32 v4, v57;
	v32 =	vadd.f32 v34, v32  }
0xa7: {  	v31 =	vand.u32 $0x1FF8, v31;
	v37 =	vld.idx.msk [tilespmem:v37+s9+$0x0], $0xffff  }
0xa8: {  	v31 =	vor.u32 v4, v31;
	v32 =	vadd.f32 v35, v32  }
0xa9: {  	v59 =	vld.idx.msk [tilespmem:v36+s9+$0x0], $0xffff  }
0xaa: {  	v61 =	vshll.u32 v58, $0x4;
	v32 =	vadd.f32 v56, v32  }
0xab: {  	v36 =	vand.u32 $0xFF0, v61;
	v60 =	vld.idx.msk [tilespmem:v38+s9+$0x0], $0xffff  }
0xac: {  	v63 =	vld [tilespmem:s20+$0xFFFFFFE0];
	v62 =	vshrl.u32 v58, $0x4;
	v36 =	vadd.s32 v5, v36;
	v32 =	vadd.f32 v37, v32  }
0xad: {  	v43 =	vshrl.u32 v58, $0xC;
	v31 =	vld.idx.msk [tilespmem:v31+s9+$0x0], $0xffff;
	v36 =	vand.u32 $0x1FF8, v36;
	v37 =	vand.u32 $0xFF0, v62  }
0xae: {  	v36 =	vor.u32 v4, v36;
	v37 =	vadd.s32 v5, v37;
	v32 =	vadd.f32 v59, v32  }
0xaf: {  	v45 =	vand.u32 $0xFF0, v43;
	v34 =	vshrl.u32 v58, $0x14;
	v44 =	vand.u32 $0x1FF8, v37  }
0xb0: {  	v49 =	vld [tilespmem:s20+$0xFFFFFFF0];
	v37 =	vadd.s32 v5, v45;
	v33 =	vor.u32 v4, v44;
	v32 =	vadd.f32 v60, v32  }
0xb1: {  	v47 =	vshll.u32 v63, $0x4;
	v34 =	vand.u32 $0xFF0, v34;
	v46 =	vand.u32 $0x1FF8, v37  }
0xb2: {  	v34 =	vadd.s32 v5, v34;
	v31 =	vadd.f32 v31, v32;
	v32 =	vor.u32 v4, v46  }
0xb3: {  	v48 =	vshrl.u32 v63, $0x4;
	v34 =	vand.u32 $0x1FF8, v34;
	v37 =	vand.u32 $0xFF0, v47;
	v36 =	vld.idx.msk [tilespmem:v36+s9+$0x0], $0xffff  }
0xb4: {  	v50 =	vshrl.u32 v63, $0xC;
	v34 =	vor.u32 v4, v34;
	v37 =	vadd.s32 v5, v37  }
0xb5: {  	v52 =	vshll.u32 v49, $0x4;
	v38 =	vand.u32 $0xFF0, v48;
	v37 =	vand.u32 $0x1FF8, v37;
	v33 =	vld.idx.msk [tilespmem:v33+s9+$0x0], $0xffff  }
0xb6: {  	v40 =	vand.u32 $0xFF0, v50;
	v38 =	vadd.s32 v5, v38;
	v37 =	vor.u32 v4, v37  }
0xb7: {  	v41 =	vshrl.u32 v49, $0x4;
	v40 =	vadd.s32 v5, v40;
	v38 =	vand.u32 $0x1FF8, v38;
	v32 =	vld.idx.msk [tilespmem:v32+s9+$0x0], $0xffff  }
0xb8: {  	v35 =	vshrl.u32 v63, $0x14;
	v38 =	vor.u32 v4, v38;
	v31 =	vadd.f32 v36, v31  }
0xb9: {  	v53 =	vand.u32 $0xFF0, v52;
	v51 =	vand.u32 $0x1FF8, v40;
	v35 =	vand.u32 $0xFF0, v35;
	v34 =	vld.idx.msk [tilespmem:v34+s9+$0x0], $0xffff  }
0xba: {  	v35 =	vadd.s32 v5, v35;
	v36 =	vor.u32 v4, v51;
	v33 =	vadd.f32 v33, v31  }
0xbb: {  	v56 =	vand.u32 $0xFF0, v41;
	v37 =	vld.idx.msk [tilespmem:v37+s9+$0x0], $0xffff;
	v31 =	vand.u32 $0x1FF8, v35;
	v35 =	vadd.s32 v5, v53  }
0xbc: {  	v54 =	vor.u32 v4, v31;
	v31 =	vld [tilespmem:s20+$0x0];
	v55 =	vand.u32 $0x1FF8, v35;
	v32 =	vadd.f32 v32, v33  }
0xbd: {  	v58 =	vadd.s32 v5, v56;
	v59 =	vshrl.u32 v49, $0xC;
	v38 =	vld.idx.msk [tilespmem:v38+s9+$0x0], $0xffff;
	v57 =	vor.u32 v4, v55  }
0xbe: {  	v35 =	vand.u32 $0xFF0, v59;
	v33 =	vand.u32 $0x1FF8, v58;
	v32 =	vadd.f32 v34, v32  }
0xbf: {  	v61 =	vshrl.u32 v49, $0x14;
	v36 =	vld.idx.msk [tilespmem:v36+s9+$0x0], $0xffff;
	v60 =	vadd.s32 v5, v35;
	v34 =	vor.u32 v4, v33  }
0xc0: {  	v39 =	vand.u32 $0xFF0, v61;
	v62 =	vand.u32 $0x1FF8, v60;
	v32 =	vadd.f32 v37, v32  }
0xc1: {  	v39 =	vadd.s32 v5, v39;
	v35 =	vor.u32 v4, v62;
	v33 =	vld.idx.msk [tilespmem:v54+s9+$0x0], $0xffff;
	v63 =	vshll.u32 v31, $0x4  }
0xc2: {  	s22 =	simm.s32 $0x0;
	s23 =	sadd.s32 $0x40, s20;
	v37 =	vadd.f32 v38, v32;
	v32 =	vld.idx.msk [tilespmem:v57+s9+$0x0], $0xffff;
	v38 =	vand.u32 $0x1FF8, v39;
	v39 =	vand.u32 $0xFF0, v63  }
.LBB2_7:
0xc3: {  	v40 =	vld [tilespmem:s23+$0xFFFFFFD0];
	v38 =	vor.u32 v4, v38;
	v39 =	vadd.s32 v5, v39;
	v41 =	vshrl.u32 v31, $0x4  }
0xc4: {  	s22 =	sadd.s32 $0x4, s22;
	v36 =	vadd.f32 v36, v37;
	v34 =	vld.idx.msk [tilespmem:v34+s9+$0x0], $0xffff;
	v37 =	vand.u32 $0x1FF8, v39;
	v39 =	vand.u32 $0xFF0, v41  }
0xc5: {  	p0 =	slt.u32 s22, $0x10;
	v41 =	vshrl.u32 v31, $0xC;
	v37 =	vor.u32 v4, v37;
	v39 =	vadd.s32 v5, v39  }
0xc6: {  	v33 =	vadd.f32 v33, v36;
	v35 =	vld.idx.msk [tilespmem:v35+s9+$0x0], $0xffff;
	v36 =	vand.u32 $0x1FF8, v39;
	v39 =	vand.u32 $0xFF0, v41  }
0xc7: {  	v31 =	vshrl.u32 v31, $0x14;
	v36 =	vor.u32 v4, v36;
	v39 =	vadd.s32 v5, v39  }
0xc8: {  	v31 =	vand.u32 $0xFF0, v31;
	v32 =	vadd.f32 v32, v33;
	v33 =	vld.idx.msk [tilespmem:v38+s9+$0x0], $0xffff;
	v38 =	vand.u32 $0x1FF8, v39  }
0xc9: {  	v31 =	vadd.s32 v5, v31;
	v39 =	vshll.u32 v40, $0x4;
	v38 =	vor.u32 v4, v38  }
0xca: {  	v31 =	vand.u32 $0x1FF8, v31;
	v39 =	vand.u32 $0xFF0, v39;
	v32 =	vadd.f32 v34, v32;
	v34 =	vld.idx.msk [tilespmem:v37+s9+$0x0], $0xffff  }
0xcb: {  	v31 =	vor.u32 v4, v31;
	v37 =	vadd.s32 v5, v39;
	v39 =	vshrl.u32 v40, $0x4;
	v41 =	vld [tilespmem:s23+$0xFFFFFFE0]  }
0xcc: {  	v37 =	vand.u32 $0x1FF8, v37;
	v39 =	vand.u32 $0xFF0, v39;
	v32 =	vadd.f32 v35, v32;
	v35 =	vld.idx.msk [tilespmem:v36+s9+$0x0], $0xffff  }
0xcd: {  	v36 =	vor.u32 v4, v37;
	v37 =	vadd.s32 v5, v39;
	v39 =	vshrl.u32 v40, $0xC  }
0xce: {  	v37 =	vand.u32 $0x1FF8, v37;
	v39 =	vand.u32 $0xFF0, v39;
	v32 =	vadd.f32 v33, v32;
	v33 =	vld.idx.msk [tilespmem:v38+s9+$0x0], $0xffff  }
0xcf: {  	v37 =	vor.u32 v4, v37;
	v38 =	vadd.s32 v5, v39;
	v39 =	vshrl.u32 v40, $0x14  }
0xd0: {  	v38 =	vand.u32 $0x1FF8, v38;
	v39 =	vand.u32 $0xFF0, v39;
	v32 =	vadd.f32 v34, v32;
	v31 =	vld.idx.msk [tilespmem:v31+s9+$0x0], $0xffff  }
0xd1: {  	v34 =	vor.u32 v4, v38;
	v38 =	vadd.s32 v5, v39;
	v39 =	vshll.u32 v41, $0x4  }
0xd2: {  	v38 =	vand.u32 $0x1FF8, v38;
	v39 =	vand.u32 $0xFF0, v39;
	v36 =	vld.idx.msk [tilespmem:v36+s9+$0x0], $0xffff;
	v32 =	vadd.f32 v35, v32  }
0xd3: {  	v35 =	vor.u32 v4, v38;
	v38 =	vadd.s32 v5, v39;
	v39 =	vshrl.u32 v41, $0x4;
	v40 =	vld [tilespmem:s23+$0xFFFFFFF0]  }
0xd4: {  	v38 =	vand.u32 $0x1FF8, v38;
	v39 =	vand.u32 $0xFF0, v39;
	v37 =	vld.idx.msk [tilespmem:v37+s9+$0x0], $0xffff;
	v32 =	vadd.f32 v33, v32  }
0xd5: {  	v33 =	vor.u32 v4, v38;
	v38 =	vadd.s32 v5, v39;
	v39 =	vshrl.u32 v41, $0xC  }
0xd6: {  	v38 =	vand.u32 $0x1FF8, v38;
	v39 =	vand.u32 $0xFF0, v39;
	v34 =	vld.idx.msk [tilespmem:v34+s9+$0x0], $0xffff;
	v31 =	vadd.f32 v31, v32  }
0xd7: {  	v32 =	vor.u32 v4, v38;
	v38 =	vadd.s32 v5, v39;
	v39 =	vshrl.u32 v41, $0x14  }
0xd8: {  	v31 =	vadd.f32 v36, v31;
	v35 =	vld.idx.msk [tilespmem:v35+s9+$0x0], $0xffff;
	v36 =	vand.u32 $0x1FF8, v38;
	v38 =	vand.u32 $0xFF0, v39  }
0xd9: {  	v39 =	vshll.u32 v40, $0x4;
	v36 =	vor.u32 v4, v36;
	v38 =	vadd.s32 v5, v38  }
0xda: {  	v37 =	vadd.f32 v37, v31;
	v33 =	vld.idx.msk [tilespmem:v33+s9+$0x0], $0xffff;
	v31 =	vand.u32 $0x1FF8, v38;
	v38 =	vand.u32 $0xFF0, v39  }
0xdb: {  	v41 =	vshrl.u32 v40, $0x4;
	v39 =	vor.u32 v4, v31;
	v38 =	vadd.s32 v5, v38;
	v31 =	vld [tilespmem:s23+$0x0]  }
0xdc: {  	v34 =	vadd.f32 v34, v37;
	v32 =	vld.idx.msk [tilespmem:v32+s9+$0x0], $0xffff;
	v37 =	vand.u32 $0x1FF8, v38;
	v38 =	vand.u32 $0xFF0, v41  }
0xdd: {  	v41 =	vor.u32 v4, v37;
	v37 =	vadd.s32 v5, v38;
	v38 =	vshrl.u32 v40, $0xC  }
.Ltmp2:
0xde: {  	v35 =	vadd.f32 v35, v34;
	v36 =	vld.idx.msk [tilespmem:v36+s9+$0x0], $0xffff;
	v34 =	vand.u32 $0x1FF8, v37;
	v37 =	vand.u32 $0xFF0, v38;
	(pc) =	sbr.rel @p0 .LBB2_7-.Ltmp2, $4  }
0xdf: {  	v38 =	vshrl.u32 v40, $0x14;
	v34 =	vor.u32 v4, v34;
	v37 =	vadd.s32 v5, v37  }
0xe0: {  	v40 =	vadd.f32 v33, v35;
	v33 =	vld.idx.msk [tilespmem:v39+s9+$0x0], $0xffff;
	v35 =	vand.u32 $0x1FF8, v37;
	v37 =	vand.u32 $0xFF0, v38  }
0xe1: {  	v39 =	vshll.u32 v31, $0x4;
	v35 =	vor.u32 v4, v35;
	v38 =	vadd.s32 v5, v37  }
0xe2: {  	s23 =	sadd.s32 $0x40, s23;
	v39 =	vand.u32 $0xFF0, v39;
	v37 =	vadd.f32 v32, v40;
	v32 =	vld.idx.msk [tilespmem:v41+s9+$0x0], $0xffff;
	v38 =	vand.u32 $0x1FF8, v38  }
0xe3: {  	_ =	sdelay $0x1  }
0xe4: {  	v38 =	vor.u32 v4, v38  }
0xe5: {  	v39 =	vadd.s32 v5, v39;
	v40 =	vshrl.u32 v31, $0x4;
	v36 =	vadd.f32 v36, v37  }
0xe6: {  	v34 =	vld.idx.msk [tilespmem:v34+s9+$0x0], $0xffff;
	v55 =	vshrl.u32 v31, $0xC;
	v53 =	vand.u32 $0x1FF8, v39;
	v54 =	vand.u32 $0xFF0, v40  }
0xe7: {  	v37 =	vor.u32 v4, v53;
	v39 =	vadd.s32 v5, v54;
	v33 =	vadd.f32 v33, v36  }
0xe8: {  	v35 =	vld.idx.msk [tilespmem:v35+s9+$0x0], $0xffff;
	v31 =	vshrl.u32 v31, $0x14;
	v57 =	vand.u32 $0xFF0, v55;
	v56 =	vand.u32 $0x1FF8, v39  }
0xe9: {  	v39 =	vadd.s32 v5, v57;
	v36 =	vor.u32 v4, v56;
	v32 =	vadd.f32 v32, v33  }
0xea: {  	v31 =	vand.u32 $0xFF0, v31;
	v59 =	vand.u32 $0x1FF8, v39;
	v58 =	vld.idx.msk [tilespmem:v38+s9+$0x0], $0xffff  }
0xeb: {  	v31 =	vadd.s32 v5, v31;
	v38 =	vor.u32 v4, v59;
	v32 =	vadd.f32 v34, v32  }
0xec: {  	v31 =	vand.u32 $0x1FF8, v31;
	v60 =	vld.idx.msk [tilespmem:v37+s9+$0x0], $0xffff  }
0xed: {  	v31 =	vor.u32 v4, v31;
	v32 =	vadd.f32 v35, v32  }
0xee: {  	v61 =	vld.idx.msk [tilespmem:v36+s9+$0x0], $0xffff  }
0xef: {  	v32 =	vadd.f32 v58, v32  }
0xf0: {  	v62 =	vld.idx.msk [tilespmem:v38+s9+$0x0], $0xffff  }
0xf1: {  	v32 =	vadd.f32 v60, v32  }
0xf2: {  	s22 =	smul.u32 $0x11, s21;
	v31 =	vld.idx.msk [tilespmem:v31+s9+$0x0], $0xffff  }
0xf3: {  	s21 =	sadd.s32 $0x1, s21;
	v32 =	vadd.f32 v61, v32  }
0xf4: {  	p0 =	sne.s32 s21, $0x10;
	v63 =	vadd.s32 s22, v0  }
.Ltmp3:
0xf5: {  	v32 =	vadd.f32 v62, v32;
	(pc) =	sbr.rel @p0 .LBB2_2-.Ltmp3, $3  }
0xf6: {  	_ = 	snop  }
0xf7: {  	v31 =	vadd.f32 v31, v32;
	_ =	sdelay $0x1  }
0xf8: {  	s18 =	sadd.s32 $0x3C0, s18;
	s19 =	sadd.s32 $0x3C0, s19;
	s20 =	sadd.s32 $0x3C0, s20;
	[tilespmem:v63+s14+$0x0] =	vst.idx.msk $0xffff, v31  }
0xf9: {  	_ =	sdelay $0x3  }
0xfa: {  	v31 =	vld.idx.msk [tilespmem:v1+s14+$0x0], $0xffff;
	_ =	sdelay $0x1  }
0xfb: {  	v32 =	vld.idx.msk [tilespmem:v6+s14+$0x0], $0xffff;
	_ =	sdelay $0x1  }
0xfc: {  	v33 =	vld.idx.msk [tilespmem:v7+s14+$0x0], $0xffff  }
0xfd: {  	v31 =	vadd.f32 $0.0e+00, v31  }
0xfe: {  	v34 =	vld.idx.msk [tilespmem:v8+s14+$0x0], $0xffff  }
0xff: {  	v31 =	vadd.f32 v32, v31  }
0x100: {  	v51 =	vld.idx.msk [tilespmem:v9+s14+$0x0], $0xffff  }
0x101: {  	v31 =	vadd.f32 v33, v31  }
0x102: {  	v52 =	vld.idx.msk [tilespmem:v10+s14+$0x0], $0xffff  }
0x103: {  	v31 =	vadd.f32 v34, v31  }
0x104: {  	v53 =	vld.idx.msk [tilespmem:v11+s14+$0x0], $0xffff  }
0x105: {  	v31 =	vadd.f32 v51, v31  }
0x106: {  	v54 =	vld.idx.msk [tilespmem:v12+s14+$0x0], $0xffff  }
0x107: {  	v31 =	vadd.f32 v52, v31  }
0x108: {  	v55 =	vld.idx.msk [tilespmem:v13+s14+$0x0], $0xffff  }
0x109: {  	v31 =	vadd.f32 v53, v31  }
0x10a: {  	v56 =	vld.idx.msk [tilespmem:v14+s14+$0x0], $0xffff  }
0x10b: {  	v31 =	vadd.f32 v54, v31  }
0x10c: {  	v57 =	vld.idx.msk [tilespmem:v15+s14+$0x0], $0xffff  }
0x10d: {  	v31 =	vadd.f32 v55, v31  }
0x10e: {  	v58 =	vld.idx.msk [tilespmem:v16+s14+$0x0], $0xffff  }
0x10f: {  	v31 =	vadd.f32 v56, v31  }
0x110: {  	v59 =	vld.idx.msk [tilespmem:v17+s14+$0x0], $0xffff  }
0x111: {  	v31 =	vadd.f32 v57, v31  }
0x112: {  	v60 =	vld.idx.msk [tilespmem:v19+s14+$0x0], $0xffff  }
0x113: {  	v31 =	vadd.f32 v58, v31  }
0x114: {  	v61 =	vld.idx.msk [tilespmem:v20+s14+$0x0], $0xffff  }
0x115: {  	v31 =	vadd.f32 v59, v31  }
0x116: {  	v62 =	vld.idx.msk [tilespmem:v21+s14+$0x0], $0xffff  }
0x117: {  	v31 =	vadd.f32 v60, v31;
	_ =	sdelay $0x1  }
0x118: {  	v31 =	vadd.f32 v61, v31;
	_ =	sdelay $0x1  }
0x119: {  	v31 =	vadd.f32 v62, v31;
	_ =	sdelay $0x1  }
0x11a: {  	v31 =	vmul.f32 v31, v22;
	_ =	sdelay $0x1  }
0x11b: {  	v31 =	vadd.f32 v31, v30;
	_ =	sdelay $0x1  }
0x11c: {  	v63 =	vmul.f32 v31, v26  }
0x11d: {  	v31 =	vmul.f32 v31, v27  }
0x11e: {  	v32 =	vadd.f32 v63, v28  }
0x11f: {  	v31 =	vadd.f32 v31, v29  }
0x120: {  	[tilespmem:v18+s15+$0x0] =	vst.idx.msk $0xffff, v32  }
0x121: {  	[tilespmem:v23+s15+$0x0] =	vst.idx.msk $0xffff, v31  }
0x122: {  	_ =	swait.ge [sflag:s16], $0x3C00  }
0x123: {  	s18 =	simm.s32 $0x0;
	s19 =	simm.s32 $0x3C20;
	[sflag:s16] =	ssyncset.done $0x0  }
0x124: {  	s20 =	simm.s32 $0x3D70;
	s21 =	simm.s32 $0x3EB0;
	[sflag:s16] =	ssyncadd.s32 $0xFFFFC400  }
.LBB2_10:
0x125: {  	v31 =	vld [tilespmem:s19+$0xFFFFFFE0];
	_ =	sdelay $0x4  }
0x126: {  	v32 =	vshll.u32 v31, $0x4  }
0x127: {  	v32 =	vor.u32 v0, v32  }
0x128: {  	v33 =	vshrl.u32 v31, $0x4;
	v32 =	vand.u32 v2, v32  }
0x129: {  	v34 =	vld [tilespmem:s19+$0xFFFFFFF0];
	v33 =	vand.u32 $0xFF0, v33  }
0x12a: {  	v35 =	vshrl.u32 v31, $0xC;
	v33 =	vor.u32 v0, v33  }
0x12b: {  	v35 =	vand.u32 $0xFF0, v35  }
0x12c: {  	v31 =	vshrl.u32 v31, $0x14;
	v35 =	vor.u32 v0, v35  }
0x12d: {  	v31 =	vand.u32 $0xFF0, v31;
	v32 =	vld.idx.msk [tilespmem:v32+s9+$0x0], $0xffff  }
0x12e: {  	v36 =	vshll.u32 v34, $0x4;
	v31 =	vor.u32 v0, v31  }
0x12f: {  	v36 =	vor.u32 v0, v36;
	v33 =	vld.idx.msk [tilespmem:v33+s9+$0x0], $0xffff  }
0x130: {  	v38 =	vld [tilespmem:s19+$0x0];
	v37 =	vshrl.u32 v34, $0x4;
	v36 =	vand.u32 v2, v36  }
0x131: {  	v39 =	vimm.f32 $0.0e+00;
	v37 =	vand.u32 $0xFF0, v37;
	v35 =	vld.idx.msk [tilespmem:v35+s9+$0x0], $0xffff  }
0x132: {  	v40 =	vshrl.u32 v34, $0xC;
	v37 =	vor.u32 v0, v37;
	v32 =	vadd.f32 v32, v39  }
0x133: {  	v51 =	vld.idx.msk [tilespmem:v31+s9+$0x0], $0xffff;
	v31 =	vand.u32 $0xFF0, v40  }
0x134: {  	v52 =	vshrl.u32 v34, $0x14;
	v40 =	vor.u32 v0, v31;
	v31 =	vadd.f32 v33, v32  }
0x135: {  	v53 =	vld.idx.msk [tilespmem:v36+s9+$0x0], $0xffff;
	v32 =	vand.u32 $0xFF0, v52  }
0x136: {  	v54 =	vshll.u32 v38, $0x4;
	v32 =	vor.u32 v0, v32;
	v35 =	vadd.f32 v35, v31  }
0x137: {  	v56 =	vshrl.u32 v38, $0x4;
	v55 =	vld.idx.msk [tilespmem:v37+s9+$0x0], $0xffff;
	v31 =	vor.u32 v0, v54  }
0x138: {  	v34 =	vand.u32 $0xFF0, v56;
	v57 =	vand.u32 v2, v31;
	v31 =	vld [tilespmem:s19+$0x10];
	v35 =	vadd.f32 v51, v35  }
0x139: {  	v59 =	vshrl.u32 v38, $0xC;
	v34 =	vor.u32 v0, v34;
	v58 =	vld.idx.msk [tilespmem:v40+s9+$0x0], $0xffff  }
0x13a: {  	v60 =	vand.u32 $0xFF0, v59;
	v35 =	vadd.f32 v53, v35  }
0x13b: {  	v38 =	vshrl.u32 v38, $0x14;
	v36 =	vor.u32 v0, v60;
	v33 =	vld.idx.msk [tilespmem:v32+s9+$0x0], $0xffff  }
0x13c: {  	v62 =	vand.u32 $0xFF0, v38;
	v61 =	vadd.f32 v55, v35  }
0x13d: {  	v32 =	vld.idx.msk [tilespmem:v57+s9+$0x0], $0xffff;
	v63 =	vshll.u32 v31, $0x4;
	v35 =	vor.u32 v0, v62  }
0x13e: {  	s22 =	simm.s32 $0x0;
	s23 =	sadd.s32 $0x40, s19;
	v34 =	vld.idx.msk [tilespmem:v34+s9+$0x0], $0xffff;
	v38 =	vor.u32 v0, v63;
	v37 =	vadd.f32 v58, v61  }
.LBB2_11:
0x13f: {  	v39 =	vld [tilespmem:s23+$0xFFFFFFE0];
	v38 =	vand.u32 v2, v38;
	v40 =	vshrl.u32 v31, $0x4  }
0x140: {  	s22 =	sadd.s32 $0x4, s22;
	v33 =	vadd.f32 v33, v37;
	v36 =	vld.idx.msk [tilespmem:v36+s9+$0x0], $0xffff;
	v37 =	vand.u32 $0xFF0, v40  }
0x141: {  	p0 =	slt.u32 s22, $0x10;
	v40 =	vshrl.u32 v31, $0xC;
	v37 =	vor.u32 v0, v37  }
0x142: {  	v32 =	vadd.f32 v32, v33;
	v33 =	vld.idx.msk [tilespmem:v35+s9+$0x0], $0xffff;
	v35 =	vand.u32 $0xFF0, v40  }
0x143: {  	v31 =	vshrl.u32 v31, $0x14;
	v35 =	vor.u32 v0, v35  }
0x144: {  	v31 =	vand.u32 $0xFF0, v31;
	v32 =	vadd.f32 v34, v32;
	v34 =	vld.idx.msk [tilespmem:v38+s9+$0x0], $0xffff  }
0x145: {  	v31 =	vor.u32 v0, v31;
	v38 =	vshll.u32 v39, $0x4  }
0x146: {  	v38 =	vor.u32 v0, v38;
	v32 =	vadd.f32 v36, v32;
	v36 =	vld.idx.msk [tilespmem:v37+s9+$0x0], $0xffff  }
0x147: {  	v37 =	vand.u32 v2, v38;
	v38 =	vshrl.u32 v39, $0x4;
	v40 =	vld [tilespmem:s23+$0xFFFFFFF0]  }
0x148: {  	v38 =	vand.u32 $0xFF0, v38;
	v32 =	vadd.f32 v33, v32;
	v33 =	vld.idx.msk [tilespmem:v35+s9+$0x0], $0xffff  }
0x149: {  	v35 =	vor.u32 v0, v38;
	v38 =	vshrl.u32 v39, $0xC  }
0x14a: {  	v38 =	vand.u32 $0xFF0, v38;
	v32 =	vadd.f32 v34, v32;
	v31 =	vld.idx.msk [tilespmem:v31+s9+$0x0], $0xffff  }
0x14b: {  	v34 =	vor.u32 v0, v38;
	v38 =	vshrl.u32 v39, $0x14  }
0x14c: {  	v38 =	vand.u32 $0xFF0, v38;
	v37 =	vld.idx.msk [tilespmem:v37+s9+$0x0], $0xffff;
	v32 =	vadd.f32 v36, v32  }
0x14d: {  	v36 =	vor.u32 v0, v38;
	v38 =	vshll.u32 v40, $0x4  }
0x14e: {  	v38 =	vor.u32 v0, v38;
	v35 =	vld.idx.msk [tilespmem:v35+s9+$0x0], $0xffff;
	v32 =	vadd.f32 v33, v32  }
0x14f: {  	v33 =	vand.u32 v2, v38;
	v38 =	vshrl.u32 v40, $0x4;
	v39 =	vld [tilespmem:s23+$0x0]  }
0x150: {  	v38 =	vand.u32 $0xFF0, v38;
	v34 =	vld.idx.msk [tilespmem:v34+s9+$0x0], $0xffff;
	v31 =	vadd.f32 v31, v32  }
0x151: {  	v32 =	vor.u32 v0, v38;
	v38 =	vshrl.u32 v40, $0xC  }
0x152: {  	v31 =	vadd.f32 v37, v31;
	v36 =	vld.idx.msk [tilespmem:v36+s9+$0x0], $0xffff;
	v37 =	vand.u32 $0xFF0, v38  }
0x153: {  	v38 =	vshrl.u32 v40, $0x14;
	v37 =	vor.u32 v0, v37  }
0x154: {  	v31 =	vadd.f32 v35, v31;
	v33 =	vld.idx.msk [tilespmem:v33+s9+$0x0], $0xffff;
	v35 =	vand.u32 $0xFF0, v38  }
0x155: {  	v38 =	vshll.u32 v39, $0x4;
	v35 =	vor.u32 v0, v35  }
0x156: {  	v34 =	vadd.f32 v34, v31;
	v32 =	vld.idx.msk [tilespmem:v32+s9+$0x0], $0xffff;
	v31 =	vor.u32 v0, v38  }
0x157: {  	v40 =	vshrl.u32 v39, $0x4;
	v38 =	vand.u32 v2, v31;
	v31 =	vld [tilespmem:s23+$0x10]  }
0x158: {  	v34 =	vadd.f32 v36, v34;
	v37 =	vld.idx.msk [tilespmem:v37+s9+$0x0], $0xffff;
	v36 =	vand.u32 $0xFF0, v40  }
0x159: {  	v40 =	vor.u32 v0, v36;
	v36 =	vshrl.u32 v39, $0xC  }
.Ltmp4:
0x15a: {  	v34 =	vadd.f32 v33, v34;
	v33 =	vld.idx.msk [tilespmem:v35+s9+$0x0], $0xffff;
	v35 =	vand.u32 $0xFF0, v36;
	(pc) =	sbr.rel @p0 .LBB2_11-.Ltmp4, $4  }
0x15b: {  	v36 =	vor.u32 v0, v35;
	v35 =	vshrl.u32 v39, $0x14  }
0x15c: {  	v34 =	vadd.f32 v32, v34;
	v32 =	vld.idx.msk [tilespmem:v38+s9+$0x0], $0xffff;
	v35 =	vand.u32 $0xFF0, v35  }
0x15d: {  	v38 =	vshll.u32 v31, $0x4;
	v35 =	vor.u32 v0, v35  }
0x15e: {  	s23 =	sadd.s32 $0x40, s23;
	v38 =	vor.u32 v0, v38;
	v37 =	vadd.f32 v37, v34;
	v34 =	vld.idx.msk [tilespmem:v40+s9+$0x0], $0xffff  }
0x15f: {  	_ =	sdelay $0x2  }
0x160: {  	v38 =	vand.u32 v2, v38;
	v39 =	vshrl.u32 v31, $0x4;
	v33 =	vadd.f32 v33, v37  }
0x161: {  	v36 =	vld.idx.msk [tilespmem:v36+s9+$0x0], $0xffff;
	v54 =	vand.u32 $0xFF0, v39  }
0x162: {  	v55 =	vshrl.u32 v31, $0xC;
	v56 =	vld.idx.msk [tilespmem:v35+s9+$0x0], $0xffff;
	v37 =	vor.u32 v0, v54;
	v32 =	vadd.f32 v32, v33  }
0x163: {  	v58 =	vld [tilespmem:s20+$0xFFFFFFD0];
	v57 =	vand.u32 $0xFF0, v55  }
0x164: {  	v31 =	vshrl.u32 v31, $0x14;
	v35 =	vor.u32 v0, v57;
	v32 =	vadd.f32 v34, v32  }
0x165: {  	v31 =	vand.u32 $0xFF0, v31;
	v38 =	vld.idx.msk [tilespmem:v38+s9+$0x0], $0xffff  }
0x166: {  	v31 =	vor.u32 v0, v31;
	v32 =	vadd.f32 v36, v32  }
0x167: {  	v59 =	vld.idx.msk [tilespmem:v37+s9+$0x0], $0xffff  }
0x168: {  	v61 =	vshll.u32 v58, $0x4;
	v32 =	vadd.f32 v56, v32  }
0x169: {  	v60 =	vld.idx.msk [tilespmem:v35+s9+$0x0], $0xffff;
	v35 =	vand.u32 $0xFF0, v61  }
0x16a: {  	v63 =	vld [tilespmem:s20+$0xFFFFFFE0];
	v62 =	vshrl.u32 v58, $0x4;
	v35 =	vadd.s32 v3, v35;
	v32 =	vadd.f32 v38, v32  }
0x16b: {  	v44 =	vshrl.u32 v58, $0xC;
	v31 =	vld.idx.msk [tilespmem:v31+s9+$0x0], $0xffff;
	v37 =	vand.u32 $0xFF0, v62;
	v35 =	vand.u32 $0x1FF8, v35  }
0x16c: {  	v37 =	vadd.s32 v3, v37;
	v35 =	vor.u32 v4, v35;
	v32 =	vadd.f32 v59, v32  }
0x16d: {  	v34 =	vshrl.u32 v58, $0x14;
	v46 =	vand.u32 $0xFF0, v44;
	v45 =	vand.u32 $0x1FF8, v37  }
0x16e: {  	v50 =	vld [tilespmem:s20+$0xFFFFFFF0];
	v37 =	vadd.s32 v3, v46;
	v33 =	vor.u32 v4, v45;
	v32 =	vadd.f32 v60, v32  }
0x16f: {  	v48 =	vshll.u32 v63, $0x4;
	v34 =	vand.u32 $0xFF0, v34;
	v47 =	vand.u32 $0x1FF8, v37  }
0x170: {  	v34 =	vadd.s32 v3, v34;
	v31 =	vadd.f32 v31, v32;
	v32 =	vor.u32 v4, v47  }
0x171: {  	v49 =	vshrl.u32 v63, $0x4;
	v34 =	vand.u32 $0x1FF8, v34;
	v37 =	vand.u32 $0xFF0, v48;
	v35 =	vld.idx.msk [tilespmem:v35+s9+$0x0], $0xffff  }
0x172: {  	v40 =	vshrl.u32 v63, $0xC;
	v34 =	vor.u32 v4, v34;
	v37 =	vadd.s32 v3, v37  }
0x173: {  	v52 =	vshll.u32 v50, $0x4;
	v38 =	vand.u32 $0xFF0, v49;
	v37 =	vand.u32 $0x1FF8, v37;
	v33 =	vld.idx.msk [tilespmem:v33+s9+$0x0], $0xffff  }
0x174: {  	v40 =	vand.u32 $0xFF0, v40;
	v38 =	vadd.s32 v3, v38;
	v37 =	vor.u32 v4, v37  }
0x175: {  	v41 =	vshrl.u32 v50, $0x4;
	v40 =	vadd.s32 v3, v40;
	v38 =	vand.u32 $0x1FF8, v38;
	v32 =	vld.idx.msk [tilespmem:v32+s9+$0x0], $0xffff  }
0x176: {  	v36 =	vshrl.u32 v63, $0x14;
	v38 =	vor.u32 v4, v38;
	v31 =	vadd.f32 v35, v31  }
0x177: {  	v53 =	vand.u32 $0xFF0, v52;
	v51 =	vand.u32 $0x1FF8, v40;
	v36 =	vand.u32 $0xFF0, v36;
	v34 =	vld.idx.msk [tilespmem:v34+s9+$0x0], $0xffff  }
0x178: {  	v36 =	vadd.s32 v3, v36;
	v35 =	vor.u32 v4, v51;
	v33 =	vadd.f32 v33, v31  }
0x179: {  	v56 =	vand.u32 $0xFF0, v41;
	v37 =	vld.idx.msk [tilespmem:v37+s9+$0x0], $0xffff;
	v31 =	vand.u32 $0x1FF8, v36;
	v36 =	vadd.s32 v3, v53  }
0x17a: {  	v54 =	vor.u32 v4, v31;
	v31 =	vld [tilespmem:s20+$0x0];
	v55 =	vand.u32 $0x1FF8, v36;
	v32 =	vadd.f32 v32, v33  }
0x17b: {  	v58 =	vadd.s32 v3, v56;
	v59 =	vshrl.u32 v50, $0xC;
	v38 =	vld.idx.msk [tilespmem:v38+s9+$0x0], $0xffff;
	v57 =	vor.u32 v4, v55  }
0x17c: {  	v36 =	vand.u32 $0xFF0, v59;
	v33 =	vand.u32 $0x1FF8, v58;
	v32 =	vadd.f32 v34, v32  }
0x17d: {  	v39 =	vshrl.u32 v50, $0x14;
	v60 =	vadd.s32 v3, v36;
	v36 =	vld.idx.msk [tilespmem:v35+s9+$0x0], $0xffff;
	v34 =	vor.u32 v4, v33  }
0x17e: {  	v62 =	vand.u32 $0xFF0, v39;
	v61 =	vand.u32 $0x1FF8, v60;
	v32 =	vadd.f32 v37, v32  }
0x17f: {  	v39 =	vadd.s32 v3, v62;
	v35 =	vor.u32 v4, v61;
	v63 =	vshll.u32 v31, $0x4;
	v33 =	vld.idx.msk [tilespmem:v54+s9+$0x0], $0xffff  }
0x180: {  	s22 =	simm.s32 $0x0;
	s23 =	sadd.s32 $0x40, s20;
	v37 =	vadd.f32 v38, v32;
	v32 =	vld.idx.msk [tilespmem:v57+s9+$0x0], $0xffff;
	v38 =	vand.u32 $0x1FF8, v39;
	v39 =	vand.u32 $0xFF0, v63  }
.LBB2_13:
0x181: {  	v40 =	vld [tilespmem:s23+$0xFFFFFFD0];
	v38 =	vor.u32 v4, v38;
	v39 =	vadd.s32 v3, v39;
	v41 =	vshrl.u32 v31, $0x4  }
0x182: {  	s22 =	sadd.s32 $0x4, s22;
	v36 =	vadd.f32 v36, v37;
	v34 =	vld.idx.msk [tilespmem:v34+s9+$0x0], $0xffff;
	v37 =	vand.u32 $0x1FF8, v39;
	v39 =	vand.u32 $0xFF0, v41  }
0x183: {  	p0 =	slt.u32 s22, $0x10;
	v41 =	vshrl.u32 v31, $0xC;
	v37 =	vor.u32 v4, v37;
	v39 =	vadd.s32 v3, v39  }
0x184: {  	v33 =	vadd.f32 v33, v36;
	v35 =	vld.idx.msk [tilespmem:v35+s9+$0x0], $0xffff;
	v36 =	vand.u32 $0x1FF8, v39;
	v39 =	vand.u32 $0xFF0, v41  }
0x185: {  	v31 =	vshrl.u32 v31, $0x14;
	v36 =	vor.u32 v4, v36;
	v39 =	vadd.s32 v3, v39  }
0x186: {  	v31 =	vand.u32 $0xFF0, v31;
	v32 =	vadd.f32 v32, v33;
	v33 =	vld.idx.msk [tilespmem:v38+s9+$0x0], $0xffff;
	v38 =	vand.u32 $0x1FF8, v39  }
0x187: {  	v31 =	vadd.s32 v3, v31;
	v39 =	vshll.u32 v40, $0x4;
	v38 =	vor.u32 v4, v38  }
0x188: {  	v31 =	vand.u32 $0x1FF8, v31;
	v39 =	vand.u32 $0xFF0, v39;
	v32 =	vadd.f32 v34, v32;
	v34 =	vld.idx.msk [tilespmem:v37+s9+$0x0], $0xffff  }
0x189: {  	v31 =	vor.u32 v4, v31;
	v37 =	vadd.s32 v3, v39;
	v39 =	vshrl.u32 v40, $0x4;
	v41 =	vld [tilespmem:s23+$0xFFFFFFE0]  }
0x18a: {  	v37 =	vand.u32 $0x1FF8, v37;
	v39 =	vand.u32 $0xFF0, v39;
	v32 =	vadd.f32 v35, v32;
	v35 =	vld.idx.msk [tilespmem:v36+s9+$0x0], $0xffff  }
0x18b: {  	v36 =	vor.u32 v4, v37;
	v37 =	vadd.s32 v3, v39;
	v39 =	vshrl.u32 v40, $0xC  }
0x18c: {  	v37 =	vand.u32 $0x1FF8, v37;
	v39 =	vand.u32 $0xFF0, v39;
	v32 =	vadd.f32 v33, v32;
	v33 =	vld.idx.msk [tilespmem:v38+s9+$0x0], $0xffff  }
0x18d: {  	v37 =	vor.u32 v4, v37;
	v38 =	vadd.s32 v3, v39;
	v39 =	vshrl.u32 v40, $0x14  }
0x18e: {  	v38 =	vand.u32 $0x1FF8, v38;
	v39 =	vand.u32 $0xFF0, v39;
	v32 =	vadd.f32 v34, v32;
	v31 =	vld.idx.msk [tilespmem:v31+s9+$0x0], $0xffff  }
0x18f: {  	v34 =	vor.u32 v4, v38;
	v38 =	vadd.s32 v3, v39;
	v39 =	vshll.u32 v41, $0x4  }
0x190: {  	v38 =	vand.u32 $0x1FF8, v38;
	v39 =	vand.u32 $0xFF0, v39;
	v36 =	vld.idx.msk [tilespmem:v36+s9+$0x0], $0xffff;
	v32 =	vadd.f32 v35, v32  }
0x191: {  	v35 =	vor.u32 v4, v38;
	v38 =	vadd.s32 v3, v39;
	v39 =	vshrl.u32 v41, $0x4;
	v40 =	vld [tilespmem:s23+$0xFFFFFFF0]  }
0x192: {  	v38 =	vand.u32 $0x1FF8, v38;
	v39 =	vand.u32 $0xFF0, v39;
	v37 =	vld.idx.msk [tilespmem:v37+s9+$0x0], $0xffff;
	v32 =	vadd.f32 v33, v32  }
0x193: {  	v33 =	vor.u32 v4, v38;
	v38 =	vadd.s32 v3, v39;
	v39 =	vshrl.u32 v41, $0xC  }
0x194: {  	v38 =	vand.u32 $0x1FF8, v38;
	v39 =	vand.u32 $0xFF0, v39;
	v34 =	vld.idx.msk [tilespmem:v34+s9+$0x0], $0xffff;
	v31 =	vadd.f32 v31, v32  }
0x195: {  	v32 =	vor.u32 v4, v38;
	v38 =	vadd.s32 v3, v39;
	v39 =	vshrl.u32 v41, $0x14  }
0x196: {  	v31 =	vadd.f32 v36, v31;
	v35 =	vld.idx.msk [tilespmem:v35+s9+$0x0], $0xffff;
	v36 =	vand.u32 $0x1FF8, v38;
	v38 =	vand.u32 $0xFF0, v39  }
0x197: {  	v39 =	vshll.u32 v40, $0x4;
	v36 =	vor.u32 v4, v36;
	v38 =	vadd.s32 v3, v38  }
0x198: {  	v37 =	vadd.f32 v37, v31;
	v33 =	vld.idx.msk [tilespmem:v33+s9+$0x0], $0xffff;
	v31 =	vand.u32 $0x1FF8, v38;
	v38 =	vand.u32 $0xFF0, v39  }
0x199: {  	v41 =	vshrl.u32 v40, $0x4;
	v39 =	vor.u32 v4, v31;
	v38 =	vadd.s32 v3, v38;
	v31 =	vld [tilespmem:s23+$0x0]  }
0x19a: {  	v34 =	vadd.f32 v34, v37;
	v32 =	vld.idx.msk [tilespmem:v32+s9+$0x0], $0xffff;
	v37 =	vand.u32 $0x1FF8, v38;
	v38 =	vand.u32 $0xFF0, v41  }
0x19b: {  	v41 =	vor.u32 v4, v37;
	v37 =	vadd.s32 v3, v38;
	v38 =	vshrl.u32 v40, $0xC  }
.Ltmp5:
0x19c: {  	v35 =	vadd.f32 v35, v34;
	v36 =	vld.idx.msk [tilespmem:v36+s9+$0x0], $0xffff;
	v34 =	vand.u32 $0x1FF8, v37;
	v37 =	vand.u32 $0xFF0, v38;
	(pc) =	sbr.rel @p0 .LBB2_13-.Ltmp5, $4  }
0x19d: {  	v38 =	vshrl.u32 v40, $0x14;
	v34 =	vor.u32 v4, v34;
	v37 =	vadd.s32 v3, v37  }
0x19e: {  	v40 =	vadd.f32 v33, v35;
	v33 =	vld.idx.msk [tilespmem:v39+s9+$0x0], $0xffff;
	v35 =	vand.u32 $0x1FF8, v37;
	v37 =	vand.u32 $0xFF0, v38  }
0x19f: {  	v39 =	vshll.u32 v31, $0x4;
	v35 =	vor.u32 v4, v35;
	v38 =	vadd.s32 v3, v37  }
0x1a0: {  	s23 =	sadd.s32 $0x40, s23;
	v39 =	vand.u32 $0xFF0, v39;
	v37 =	vadd.f32 v32, v40;
	v32 =	vld.idx.msk [tilespmem:v41+s9+$0x0], $0xffff;
	v38 =	vand.u32 $0x1FF8, v38  }
0x1a1: {  	_ =	sdelay $0x1  }
0x1a2: {  	v38 =	vor.u32 v4, v38  }
0x1a3: {  	v39 =	vadd.s32 v3, v39;
	v40 =	vshrl.u32 v31, $0x4;
	v36 =	vadd.f32 v36, v37  }
0x1a4: {  	v34 =	vld.idx.msk [tilespmem:v34+s9+$0x0], $0xffff;
	v53 =	vshrl.u32 v31, $0xC;
	v51 =	vand.u32 $0x1FF8, v39;
	v52 =	vand.u32 $0xFF0, v40  }
0x1a5: {  	v37 =	vor.u32 v4, v51;
	v39 =	vadd.s32 v3, v52;
	v33 =	vadd.f32 v33, v36  }
0x1a6: {  	v35 =	vld.idx.msk [tilespmem:v35+s9+$0x0], $0xffff;
	v31 =	vshrl.u32 v31, $0x14;
	v55 =	vand.u32 $0xFF0, v53;
	v54 =	vand.u32 $0x1FF8, v39  }
0x1a7: {  	v58 =	vld [tilespmem:s21+$0xFFFFFFD0];
	v39 =	vadd.s32 v3, v55;
	v36 =	vor.u32 v4, v54;
	v32 =	vadd.f32 v32, v33  }
0x1a8: {  	v31 =	vand.u32 $0xFF0, v31;
	v57 =	vand.u32 $0x1FF8, v39;
	v56 =	vld.idx.msk [tilespmem:v38+s9+$0x0], $0xffff  }
0x1a9: {  	v31 =	vadd.s32 v3, v31;
	v38 =	vor.u32 v4, v57;
	v32 =	vadd.f32 v34, v32  }
0x1aa: {  	v31 =	vand.u32 $0x1FF8, v31;
	v37 =	vld.idx.msk [tilespmem:v37+s9+$0x0], $0xffff  }
0x1ab: {  	v31 =	vor.u32 v4, v31;
	v32 =	vadd.f32 v35, v32  }
0x1ac: {  	v59 =	vld.idx.msk [tilespmem:v36+s9+$0x0], $0xffff  }
0x1ad: {  	v61 =	vshll.u32 v58, $0x4;
	v32 =	vadd.f32 v56, v32  }
0x1ae: {  	v36 =	vand.u32 $0xFF0, v61;
	v60 =	vld.idx.msk [tilespmem:v38+s9+$0x0], $0xffff  }
0x1af: {  	v63 =	vld [tilespmem:s21+$0xFFFFFFE0];
	v62 =	vshrl.u32 v58, $0x4;
	v36 =	vadd.s32 v5, v36;
	v32 =	vadd.f32 v37, v32  }
0x1b0: {  	v43 =	vshrl.u32 v58, $0xC;
	v31 =	vld.idx.msk [tilespmem:v31+s9+$0x0], $0xffff;
	v36 =	vand.u32 $0x1FF8, v36;
	v37 =	vand.u32 $0xFF0, v62  }
0x1b1: {  	v36 =	vor.u32 v4, v36;
	v37 =	vadd.s32 v5, v37;
	v32 =	vadd.f32 v59, v32  }
0x1b2: {  	v45 =	vand.u32 $0xFF0, v43;
	v34 =	vshrl.u32 v58, $0x14;
	v44 =	vand.u32 $0x1FF8, v37  }
0x1b3: {  	v49 =	vld [tilespmem:s21+$0xFFFFFFF0];
	v37 =	vadd.s32 v5, v45;
	v33 =	vor.u32 v4, v44;
	v32 =	vadd.f32 v60, v32  }
0x1b4: {  	v47 =	vshll.u32 v63, $0x4;
	v34 =	vand.u32 $0xFF0, v34;
	v46 =	vand.u32 $0x1FF8, v37  }
0x1b5: {  	v34 =	vadd.s32 v5, v34;
	v31 =	vadd.f32 v31, v32;
	v32 =	vor.u32 v4, v46  }
0x1b6: {  	v48 =	vshrl.u32 v63, $0x4;
	v34 =	vand.u32 $0x1FF8, v34;
	v37 =	vand.u32 $0xFF0, v47;
	v36 =	vld.idx.msk [tilespmem:v36+s9+$0x0], $0xffff  }
0x1b7: {  	v50 =	vshrl.u32 v63, $0xC;
	v34 =	vor.u32 v4, v34;
	v37 =	vadd.s32 v5, v37  }
0x1b8: {  	v52 =	vshll.u32 v49, $0x4;
	v38 =	vand.u32 $0xFF0, v48;
	v37 =	vand.u32 $0x1FF8, v37;
	v33 =	vld.idx.msk [tilespmem:v33+s9+$0x0], $0xffff  }
0x1b9: {  	v40 =	vand.u32 $0xFF0, v50;
	v38 =	vadd.s32 v5, v38;
	v37 =	vor.u32 v4, v37  }
0x1ba: {  	v41 =	vshrl.u32 v49, $0x4;
	v40 =	vadd.s32 v5, v40;
	v38 =	vand.u32 $0x1FF8, v38;
	v32 =	vld.idx.msk [tilespmem:v32+s9+$0x0], $0xffff  }
0x1bb: {  	v35 =	vshrl.u32 v63, $0x14;
	v38 =	vor.u32 v4, v38;
	v31 =	vadd.f32 v36, v31  }
0x1bc: {  	v53 =	vand.u32 $0xFF0, v52;
	v51 =	vand.u32 $0x1FF8, v40;
	v35 =	vand.u32 $0xFF0, v35;
	v34 =	vld.idx.msk [tilespmem:v34+s9+$0x0], $0xffff  }
0x1bd: {  	v35 =	vadd.s32 v5, v35;
	v36 =	vor.u32 v4, v51;
	v33 =	vadd.f32 v33, v31  }
0x1be: {  	v56 =	vand.u32 $0xFF0, v41;
	v37 =	vld.idx.msk [tilespmem:v37+s9+$0x0], $0xffff;
	v31 =	vand.u32 $0x1FF8, v35;
	v35 =	vadd.s32 v5, v53  }
0x1bf: {  	v54 =	vor.u32 v4, v31;
	v31 =	vld [tilespmem:s21+$0x0];
	v55 =	vand.u32 $0x1FF8, v35;
	v32 =	vadd.f32 v32, v33  }
0x1c0: {  	v58 =	vadd.s32 v5, v56;
	v59 =	vshrl.u32 v49, $0xC;
	v38 =	vld.idx.msk [tilespmem:v38+s9+$0x0], $0xffff;
	v57 =	vor.u32 v4, v55  }
0x1c1: {  	v35 =	vand.u32 $0xFF0, v59;
	v33 =	vand.u32 $0x1FF8, v58;
	v32 =	vadd.f32 v34, v32  }
0x1c2: {  	v61 =	vshrl.u32 v49, $0x14;
	v36 =	vld.idx.msk [tilespmem:v36+s9+$0x0], $0xffff;
	v60 =	vadd.s32 v5, v35;
	v34 =	vor.u32 v4, v33  }
0x1c3: {  	v39 =	vand.u32 $0xFF0, v61;
	v62 =	vand.u32 $0x1FF8, v60;
	v32 =	vadd.f32 v37, v32  }
0x1c4: {  	v39 =	vadd.s32 v5, v39;
	v35 =	vor.u32 v4, v62;
	v33 =	vld.idx.msk [tilespmem:v54+s9+$0x0], $0xffff;
	v63 =	vshll.u32 v31, $0x4  }
0x1c5: {  	s22 =	simm.s32 $0x0;
	s23 =	sadd.s32 $0x40, s21;
	v37 =	vadd.f32 v38, v32;
	v32 =	vld.idx.msk [tilespmem:v57+s9+$0x0], $0xffff;
	v38 =	vand.u32 $0x1FF8, v39;
	v39 =	vand.u32 $0xFF0, v63  }
.LBB2_15:
0x1c6: {  	v40 =	vld [tilespmem:s23+$0xFFFFFFD0];
	v38 =	vor.u32 v4, v38;
	v39 =	vadd.s32 v5, v39;
	v41 =	vshrl.u32 v31, $0x4  }
0x1c7: {  	s22 =	sadd.s32 $0x4, s22;
	v36 =	vadd.f32 v36, v37;
	v34 =	vld.idx.msk [tilespmem:v34+s9+$0x0], $0xffff;
	v37 =	vand.u32 $0x1FF8, v39;
	v39 =	vand.u32 $0xFF0, v41  }
0x1c8: {  	p0 =	slt.u32 s22, $0x10;
	v41 =	vshrl.u32 v31, $0xC;
	v37 =	vor.u32 v4, v37;
	v39 =	vadd.s32 v5, v39  }
0x1c9: {  	v33 =	vadd.f32 v33, v36;
	v35 =	vld.idx.msk [tilespmem:v35+s9+$0x0], $0xffff;
	v36 =	vand.u32 $0x1FF8, v39;
	v39 =	vand.u32 $0xFF0, v41  }
0x1ca: {  	v31 =	vshrl.u32 v31, $0x14;
	v36 =	vor.u32 v4, v36;
	v39 =	vadd.s32 v5, v39  }
0x1cb: {  	v31 =	vand.u32 $0xFF0, v31;
	v32 =	vadd.f32 v32, v33;
	v33 =	vld.idx.msk [tilespmem:v38+s9+$0x0], $0xffff;
	v38 =	vand.u32 $0x1FF8, v39  }
0x1cc: {  	v31 =	vadd.s32 v5, v31;
	v39 =	vshll.u32 v40, $0x4;
	v38 =	vor.u32 v4, v38  }
0x1cd: {  	v31 =	vand.u32 $0x1FF8, v31;
	v39 =	vand.u32 $0xFF0, v39;
	v32 =	vadd.f32 v34, v32;
	v34 =	vld.idx.msk [tilespmem:v37+s9+$0x0], $0xffff  }
0x1ce: {  	v31 =	vor.u32 v4, v31;
	v37 =	vadd.s32 v5, v39;
	v39 =	vshrl.u32 v40, $0x4;
	v41 =	vld [tilespmem:s23+$0xFFFFFFE0]  }
0x1cf: {  	v37 =	vand.u32 $0x1FF8, v37;
	v39 =	vand.u32 $0xFF0, v39;
	v32 =	vadd.f32 v35, v32;
	v35 =	vld.idx.msk [tilespmem:v36+s9+$0x0], $0xffff  }
0x1d0: {  	v36 =	vor.u32 v4, v37;
	v37 =	vadd.s32 v5, v39;
	v39 =	vshrl.u32 v40, $0xC  }
0x1d1: {  	v37 =	vand.u32 $0x1FF8, v37;
	v39 =	vand.u32 $0xFF0, v39;
	v32 =	vadd.f32 v33, v32;
	v33 =	vld.idx.msk [tilespmem:v38+s9+$0x0], $0xffff  }
0x1d2: {  	v37 =	vor.u32 v4, v37;
	v38 =	vadd.s32 v5, v39;
	v39 =	vshrl.u32 v40, $0x14  }
0x1d3: {  	v38 =	vand.u32 $0x1FF8, v38;
	v39 =	vand.u32 $0xFF0, v39;
	v32 =	vadd.f32 v34, v32;
	v31 =	vld.idx.msk [tilespmem:v31+s9+$0x0], $0xffff  }
0x1d4: {  	v34 =	vor.u32 v4, v38;
	v38 =	vadd.s32 v5, v39;
	v39 =	vshll.u32 v41, $0x4  }
0x1d5: {  	v38 =	vand.u32 $0x1FF8, v38;
	v39 =	vand.u32 $0xFF0, v39;
	v36 =	vld.idx.msk [tilespmem:v36+s9+$0x0], $0xffff;
	v32 =	vadd.f32 v35, v32  }
0x1d6: {  	v35 =	vor.u32 v4, v38;
	v38 =	vadd.s32 v5, v39;
	v39 =	vshrl.u32 v41, $0x4;
	v40 =	vld [tilespmem:s23+$0xFFFFFFF0]  }
0x1d7: {  	v38 =	vand.u32 $0x1FF8, v38;
	v39 =	vand.u32 $0xFF0, v39;
	v37 =	vld.idx.msk [tilespmem:v37+s9+$0x0], $0xffff;
	v32 =	vadd.f32 v33, v32  }
0x1d8: {  	v33 =	vor.u32 v4, v38;
	v38 =	vadd.s32 v5, v39;
	v39 =	vshrl.u32 v41, $0xC  }
0x1d9: {  	v38 =	vand.u32 $0x1FF8, v38;
	v39 =	vand.u32 $0xFF0, v39;
	v34 =	vld.idx.msk [tilespmem:v34+s9+$0x0], $0xffff;
	v31 =	vadd.f32 v31, v32  }
0x1da: {  	v32 =	vor.u32 v4, v38;
	v38 =	vadd.s32 v5, v39;
	v39 =	vshrl.u32 v41, $0x14  }
0x1db: {  	v31 =	vadd.f32 v36, v31;
	v35 =	vld.idx.msk [tilespmem:v35+s9+$0x0], $0xffff;
	v36 =	vand.u32 $0x1FF8, v38;
	v38 =	vand.u32 $0xFF0, v39  }
0x1dc: {  	v39 =	vshll.u32 v40, $0x4;
	v36 =	vor.u32 v4, v36;
	v38 =	vadd.s32 v5, v38  }
0x1dd: {  	v37 =	vadd.f32 v37, v31;
	v33 =	vld.idx.msk [tilespmem:v33+s9+$0x0], $0xffff;
	v31 =	vand.u32 $0x1FF8, v38;
	v38 =	vand.u32 $0xFF0, v39  }
0x1de: {  	v41 =	vshrl.u32 v40, $0x4;
	v39 =	vor.u32 v4, v31;
	v38 =	vadd.s32 v5, v38;
	v31 =	vld [tilespmem:s23+$0x0]  }
0x1df: {  	v34 =	vadd.f32 v34, v37;
	v32 =	vld.idx.msk [tilespmem:v32+s9+$0x0], $0xffff;
	v37 =	vand.u32 $0x1FF8, v38;
	v38 =	vand.u32 $0xFF0, v41  }
0x1e0: {  	v41 =	vor.u32 v4, v37;
	v37 =	vadd.s32 v5, v38;
	v38 =	vshrl.u32 v40, $0xC  }
.Ltmp6:
0x1e1: {  	v35 =	vadd.f32 v35, v34;
	v36 =	vld.idx.msk [tilespmem:v36+s9+$0x0], $0xffff;
	v34 =	vand.u32 $0x1FF8, v37;
	v37 =	vand.u32 $0xFF0, v38;
	(pc) =	sbr.rel @p0 .LBB2_15-.Ltmp6, $4  }
0x1e2: {  	v38 =	vshrl.u32 v40, $0x14;
	v34 =	vor.u32 v4, v34;
	v37 =	vadd.s32 v5, v37  }
0x1e3: {  	v40 =	vadd.f32 v33, v35;
	v33 =	vld.idx.msk [tilespmem:v39+s9+$0x0], $0xffff;
	v35 =	vand.u32 $0x1FF8, v37;
	v37 =	vand.u32 $0xFF0, v38  }
0x1e4: {  	v39 =	vshll.u32 v31, $0x4;
	v35 =	vor.u32 v4, v35;
	v38 =	vadd.s32 v5, v37  }
0x1e5: {  	s23 =	sadd.s32 $0x40, s23;
	v39 =	vand.u32 $0xFF0, v39;
	v37 =	vadd.f32 v32, v40;
	v32 =	vld.idx.msk [tilespmem:v41+s9+$0x0], $0xffff;
	v38 =	vand.u32 $0x1FF8, v38  }
0x1e6: {  	_ =	sdelay $0x1  }
0x1e7: {  	v38 =	vor.u32 v4, v38  }
0x1e8: {  	v39 =	vadd.s32 v5, v39;
	v40 =	vshrl.u32 v31, $0x4;
	v36 =	vadd.f32 v36, v37  }
0x1e9: {  	v34 =	vld.idx.msk [tilespmem:v34+s9+$0x0], $0xffff;
	v55 =	vshrl.u32 v31, $0xC;
	v53 =	vand.u32 $0x1FF8, v39;
	v54 =	vand.u32 $0xFF0, v40  }
0x1ea: {  	v37 =	vor.u32 v4, v53;
	v39 =	vadd.s32 v5, v54;
	v33 =	vadd.f32 v33, v36  }
0x1eb: {  	v35 =	vld.idx.msk [tilespmem:v35+s9+$0x0], $0xffff;
	v31 =	vshrl.u32 v31, $0x14;
	v57 =	vand.u32 $0xFF0, v55;
	v56 =	vand.u32 $0x1FF8, v39  }
0x1ec: {  	v39 =	vadd.s32 v5, v57;
	v36 =	vor.u32 v4, v56;
	v32 =	vadd.f32 v32, v33  }
0x1ed: {  	v31 =	vand.u32 $0xFF0, v31;
	v59 =	vand.u32 $0x1FF8, v39;
	v58 =	vld.idx.msk [tilespmem:v38+s9+$0x0], $0xffff  }
0x1ee: {  	v31 =	vadd.s32 v5, v31;
	v38 =	vor.u32 v4, v59;
	v32 =	vadd.f32 v34, v32  }
0x1ef: {  	v31 =	vand.u32 $0x1FF8, v31;
	v60 =	vld.idx.msk [tilespmem:v37+s9+$0x0], $0xffff  }
0x1f0: {  	v31 =	vor.u32 v4, v31;
	v32 =	vadd.f32 v35, v32  }
0x1f1: {  	v61 =	vld.idx.msk [tilespmem:v36+s9+$0x0], $0xffff  }
0x1f2: {  	v32 =	vadd.f32 v58, v32  }
0x1f3: {  	v62 =	vld.idx.msk [tilespmem:v38+s9+$0x0], $0xffff  }
0x1f4: {  	v32 =	vadd.f32 v60, v32  }
0x1f5: {  	s22 =	smul.u32 $0x11, s18;
	v31 =	vld.idx.msk [tilespmem:v31+s9+$0x0], $0xffff  }
0x1f6: {  	s18 =	sadd.s32 $0x1, s18;
	v32 =	vadd.f32 v61, v32  }
0x1f7: {  	p0 =	sne.s32 s18, $0x10;
	v63 =	vadd.s32 s22, v0  }
.Ltmp7:
0x1f8: {  	v32 =	vadd.f32 v62, v32;
	(pc) =	sbr.rel @p0 .LBB2_10-.Ltmp7, $3  }
0x1f9: {  	_ = 	snop  }
0x1fa: {  	v31 =	vadd.f32 v31, v32;
	_ =	sdelay $0x1  }
0x1fb: {  	s19 =	sadd.s32 $0x3C0, s19;
	s20 =	sadd.s32 $0x3C0, s20;
	s21 =	sadd.s32 $0x3C0, s21;
	[tilespmem:v63+s14+$0x0] =	vst.idx.msk $0xffff, v31  }
0x1fc: {  	_ =	sdelay $0x3  }
0x1fd: {  	v31 =	vld.idx.msk [tilespmem:v1+s14+$0x0], $0xffff;
	_ =	sdelay $0x1  }
0x1fe: {  	v32 =	vld.idx.msk [tilespmem:v6+s14+$0x0], $0xffff;
	_ =	sdelay $0x1  }
0x1ff: {  	v33 =	vld.idx.msk [tilespmem:v7+s14+$0x0], $0xffff  }
0x200: {  	v31 =	vadd.f32 $0.0e+00, v31  }
0x201: {  	v34 =	vld.idx.msk [tilespmem:v8+s14+$0x0], $0xffff  }
0x202: {  	v31 =	vadd.f32 v32, v31  }
0x203: {  	v52 =	vld.idx.msk [tilespmem:v9+s14+$0x0], $0xffff  }
0x204: {  	v31 =	vadd.f32 v33, v31  }
0x205: {  	v53 =	vld.idx.msk [tilespmem:v10+s14+$0x0], $0xffff  }
0x206: {  	v31 =	vadd.f32 v34, v31  }
0x207: {  	v54 =	vld.idx.msk [tilespmem:v11+s14+$0x0], $0xffff  }
0x208: {  	v31 =	vadd.f32 v52, v31  }
0x209: {  	v55 =	vld.idx.msk [tilespmem:v12+s14+$0x0], $0xffff  }
0x20a: {  	v31 =	vadd.f32 v53, v31  }
0x20b: {  	v56 =	vld.idx.msk [tilespmem:v13+s14+$0x0], $0xffff  }
0x20c: {  	v31 =	vadd.f32 v54, v31  }
0x20d: {  	v57 =	vld.idx.msk [tilespmem:v14+s14+$0x0], $0xffff  }
0x20e: {  	v31 =	vadd.f32 v55, v31  }
0x20f: {  	v58 =	vld.idx.msk [tilespmem:v15+s14+$0x0], $0xffff  }
0x210: {  	v31 =	vadd.f32 v56, v31  }
0x211: {  	v59 =	vld.idx.msk [tilespmem:v16+s14+$0x0], $0xffff  }
0x212: {  	v31 =	vadd.f32 v57, v31  }
0x213: {  	v60 =	vld.idx.msk [tilespmem:v17+s14+$0x0], $0xffff  }
0x214: {  	v31 =	vadd.f32 v58, v31  }
0x215: {  	v61 =	vld.idx.msk [tilespmem:v19+s14+$0x0], $0xffff  }
0x216: {  	v31 =	vadd.f32 v59, v31  }
0x217: {  	v62 =	vld.idx.msk [tilespmem:v20+s14+$0x0], $0xffff  }
0x218: {  	v31 =	vadd.f32 v60, v31  }
0x219: {  	v63 =	vld.idx.msk [tilespmem:v21+s14+$0x0], $0xffff  }
0x21a: {  	v31 =	vadd.f32 v61, v31;
	_ =	sdelay $0x1  }
0x21b: {  	v31 =	vadd.f32 v62, v31;
	_ =	sdelay $0x1  }
0x21c: {  	v31 =	vadd.f32 v63, v31;
	_ =	sdelay $0x1  }
0x21d: {  	v31 =	vmul.f32 v31, v22;
	_ =	sdelay $0x1  }
0x21e: {  	v30 =	vadd.f32 v31, v30;
	_ =	sdelay $0x1  }
0x21f: {  	v26 =	vmul.f32 v30, v26  }
0x220: {  	v27 =	vmul.f32 v30, v27  }
0x221: {  	v26 =	vadd.f32 v26, v28  }
0x222: {  	s17 =	sadd.s32 $0x1, s17;
	v27 =	vadd.f32 v27, v29  }
0x223: {  	p0 =	sne.s32 s17, s8;
	[tilespmem:v24+s15+$0x0] =	vst.idx.msk $0xffff, v26  }
.Ltmp8:
0x224: {  	[tilespmem:v25+s15+$0x0] =	vst.idx.msk $0xffff, v27;
	(pc) =	sbr.rel @p0 .LBB2_1-.Ltmp8, $4  }
0x225: {  	[hbm4b:s7+s4] =	stream.linear.scatter [tilespmem:s15], [sflag:$0x3], $0x100, $0x38;
	[tilespmem:$0x8490] =	vst v63  }
0x226: {  	_ =	swait.ge [sflag:s10], $0x100  }
0x227: {  	[sflag:s10] =	ssyncset.done $0x0  }
0x228: {  	[sflag:s10] =	ssyncadd.s32 $0xFFFFFF00  }
0x229: {  	_ =	sfence.sel $0x180000  }
0x22a: {  	[bflag:$0x0] =	sbarrier.arrive $0xFFFF  }
0x22b: {  	p0 =	sne.s32 s3, $0x0;
	_ =	strace $0x90000047  }
0x22c: {  	s0 =	sadd.s32 @!p0 $0x100000, s0;
	[bflag:$0x2] =	sbarrier.arrive $0xFFFF  }
0x22d: {  	[sflag:s0] =	ssyncadd.tile.s32 @!p0 $0x1;
	_ =	shalt  }
.Lfunc_end2:
_tile_overlayer_lowered:
.L_overlay_start_2:
0x22e: {  	(tag) =	ssettag $0x2  }
0x22f: {  	s0 =	rddreg [dreg:$0x0];
	s2 =	stileid.u32  }
0x230: {  	s1 =	rddreg [dreg:$0x1];
	p0 =	sne.s32 s2, $0x0  }
0x231: {  	s3 =	rddreg [dreg:$0x2];
	[bflag:$0x3] =	sbarrier.arrive $0xFFFF;
	s2 =	simm.s32 @!p0 $0x1C03  }
0x232: {  	[timem:s3], [sflag:s2] =	dma.local @!p0 [hbm:s0], s1  }
0x233: {  	s0 =	simm.s32 @!p0 $0x3  }
0x234: {  	_ =	swait.ge @!p0 [sflag:s0], s1  }
0x235: {  	s1 =	ssub.s32 @!p0 $0x0, s1;
	[sflag:s0] =	ssyncset.done @!p0 $0x0  }
0x236: {  	[sflag:s0] =	ssyncadd.s32 @!p0 s1  }
0x237: {  	[bflag:$0x3] =	sbarrier.arrive $0xFFFF  }
0x238: {  	_ =	shalt  }

</sc_bundles>
